<compile_context>
chip_gen: v7x
topology: tpu7x:2x2x1
jax: 0.10.2.dev20260603
libtpu: 0.0.44.dev20260713+nightly
codegen_flags: <defaults>
</compile_context>

<pallas_src>
import jax
import jax.numpy as jnp
from jax import lax
from jax.experimental import pallas as pl
from jax.experimental.pallas import tpu as pltpu
from jax.experimental.pallas import tpu_sc as plsc

_NC = 2
_NS = 16
_NW = _NC * _NS
_CHUNK = 128
_NBUF = 8
_K = 4


def _gather_body(table_hbm, idxt_hbm, out_hbm, idx_v, rows_v, *sems):
    k, n = idxt_hbm.shape
    d = rows_v.shape[2]
    b_per_w = (n * k) // _NW
    n_chunks = b_per_w // _CHUNK
    n_rows = idx_v.shape[0]
    wid = lax.axis_index("s") * _NC + lax.axis_index("c")
    base = wid * b_per_w
    j0 = jnp.minimum(base // n, k - n_rows)
    pltpu.sync_copy(idxt_hbm.at[pl.ds(j0, n_rows)], idx_v)

    def idx_slice(c):
        q = base + c * _CHUNK
        return idx_v.at[q // n - j0, pl.ds(q % n, _CHUNK)]

    def fire_gather(c, b):
        pltpu.async_copy(table_hbm.at[idx_slice(c)], rows_v.at[b], sems[b])

    def wait_gather(b):
        pltpu.make_async_copy(
            table_hbm.at[idx_v.at[0, pl.ds(0, _CHUNK)]], rows_v.at[b],
            sems[b]).wait()

    def fire_store(c, b):
        pltpu.async_copy(
            rows_v.at[b], out_hbm.at[pl.ds(base + c * _CHUNK, _CHUNK)],
            sems[b])

    def wait_store(b):
        pltpu.make_async_copy(
            rows_v.at[b], out_hbm.at[pl.ds(base, _CHUNK)], sems[b]).wait()

    for c in range(_K):
        fire_gather(c, c % _NBUF)

    for c in range(_NBUF - _K):
        wait_gather(c % _NBUF)
        fire_store(c, c % _NBUF)
        fire_gather(c + _K, (c + _K) % _NBUF)

    lo = _NBUF - _K
    hi = n_chunks - _K
    n_groups = (hi - lo) // _NBUF

    def group(i, carry):
        c0 = lo + i * _NBUF
        for j in range(_NBUF):
            c = c0 + j
            b = (lo + j) % _NBUF
            bf = (lo + j + _K) % _NBUF
            wait_gather(b)
            fire_store(c, b)
            wait_store(bf)
            fire_gather(c + _K, bf)
        return carry

    lax.fori_loop(0, n_groups, group, 0)

    for c in range(n_chunks - _K, n_chunks):
        wait_gather(c % _NBUF)
        fire_store(c, c % _NBUF)

    for b in range(_NBUF):
        wait_store(b)


def kernel(data, indices):
    n, k = indices.shape
    d = data.shape[1]
    b = n * k
    idxt = indices.T.astype(jnp.int32)
    n_rows = (b // _NW) // n + 2
    mesh = plsc.VectorSubcoreMesh(core_axis_name="c", subcore_axis_name="s")
    out = pl.kernel(
        _gather_body,
        out_type=jax.ShapeDtypeStruct((b, d), jnp.float32),
        mesh=mesh,
        scratch_types=[
            pltpu.VMEM((n_rows, n), jnp.int32),
            pltpu.VMEM((_NBUF, _CHUNK, d), jnp.float32),
        ] + [pltpu.SemaphoreType.DMA] * _NBUF,
        compiler_params=pltpu.CompilerParams(use_tc_tiling_on_sc=False),
    )(data, idxt)
    return out.reshape(k, n, d).transpose(1, 0, 2)

# --- scband reference (transcript-rebuilt; emitter-appended) ---
"""Pipeline reference for scband-gather-78932908965965 (READ-ONLY COPY).

The authoritative reference and input builder live on the scoring server;
editing this copy changes nothing except your own understanding.
"""

import jax, jax.numpy as jnp
import numpy as np

def setup_inputs(seed: int = 0) -> dict:
    key = jax.random.key(seed)
    k1, k2 = jax.random.split(key)
    data = jax.random.normal(k1, (1000000, 64), dtype=jnp.float32)
    indices = jax.random.randint(k2, (16384, 50), 0, 1000000, dtype=jnp.int64 if jax.config.jax_enable_x64 else jnp.int32)
    return {"data": data, "indices": indices}

def reference(data, indices):
    # Gather.call: ops.gather(data, indices) == data[indices]
    return jnp.take(data, indices, axis=0)

if __name__ == "__main__":
    import jax
    _d = setup_inputs()
    print(jax.jit(kernel)(*tuple(_d.values())))

</pallas_src>

<mosaic_0001>
#map = affine_map<(d0, d1) -> (0, 0)>
module attributes {stable_mosaic.version = 14 : i64} {
  func.func @_gather_body(%arg0: i32, %arg1: i32, %arg2: memref<1000000x64xf32, #tpu.memory_space<hbm>>, %arg3: memref<50x16384xi32, #tpu.memory_space<hbm>>, %arg4: memref<819200x64xf32, #tpu.memory_space<hbm>>, %arg5: memref<3x16384xi32, #tpu.memory_space<vmem>>, %arg6: memref<8x128x64xf32, #tpu.memory_space<vmem>>, %arg7: memref<!tpu.dma_semaphore, #tpu.memory_space<semaphore_mem>>, %arg8: memref<!tpu.dma_semaphore, #tpu.memory_space<semaphore_mem>>, %arg9: memref<!tpu.dma_semaphore, #tpu.memory_space<semaphore_mem>>, %arg10: memref<!tpu.dma_semaphore, #tpu.memory_space<semaphore_mem>>, %arg11: memref<!tpu.dma_semaphore, #tpu.memory_space<semaphore_mem>>, %arg12: memref<!tpu.dma_semaphore, #tpu.memory_space<semaphore_mem>>, %arg13: memref<!tpu.dma_semaphore, #tpu.memory_space<semaphore_mem>>, %arg14: memref<!tpu.dma_semaphore, #tpu.memory_space<semaphore_mem>>) attributes {dimension_semantics = [#tpu.dimension_semantics<core_parallel>, #tpu.dimension_semantics<subcore_parallel>], iteration_bounds = array<i64: 2, 16>, scalar_prefetch = 0 : i64, scratch_operands = 10 : i64, tpu.core_type = #tpu.core_type<sc_vector_subcore>, window_params = [{transform_indices = #map}, {transform_indices = #map}, {transform_indices = #map}]} {
    %mul3A = arith.constant 2 : i32
    %mul3A_0 = arith.muli %arg1, %mul3A : i32
    %add3A = arith.addi %mul3A_0, %arg0 : i32
    %mul3A_1 = arith.constant 25600 : i32
    %mul3A_2 = arith.muli %add3A, %mul3A_1 : i32
    %jit3A = arith.constant 16384 : i32
    %div3A = arith.divsi %mul3A_2, %jit3A : i32
    %sign3A = arith.constant 0 : i32
    %sign3A_3 = arith.cmpi sgt, %mul3A_2, %sign3A : i32
    %sign3A_4 = arith.extui %sign3A_3 : i1 to i32
    %sign3A_5 = arith.constant 0 : i32
    %sign3A_6 = arith.cmpi slt, %mul3A_2, %sign3A_5 : i32
    %sign3A_7 = arith.extui %sign3A_6 : i1 to i32
    %sign3A_8 = arith.subi %sign3A_4, %sign3A_7 : i32
    %sign3A_9 = arith.constant 0 : i32
    %sign3A_10 = arith.cmpi sgt, %jit3A, %sign3A_9 : i32
    %sign3A_11 = arith.extui %sign3A_10 : i1 to i32
    %sign3A_12 = arith.constant 0 : i32
    %sign3A_13 = arith.cmpi slt, %jit3A, %sign3A_12 : i32
    %sign3A_14 = arith.extui %sign3A_13 : i1 to i32
    %sign3A_15 = arith.subi %sign3A_11, %sign3A_14 : i32
    %ne3A = arith.cmpi ne, %sign3A_8, %sign3A_15 : i32
    %rem3A = arith.remsi %mul3A_2, %jit3A : i32
    %ne3A_16 = arith.constant 0 : i32
    %ne3A_17 = arith.cmpi ne, %rem3A, %ne3A_16 : i32
    %and3A = arith.andi %ne3A, %ne3A_17 : i1
    %sub3A = arith.constant 1 : i32
    %sub3A_18 = arith.subi %div3A, %sub3A : i32
    %select_n3A = arith.select %and3A, %sub3A_18, %div3A : i32
    %min3A = arith.constant 47 : i32
    %min3A_19 = arith.minsi %select_n3A, %min3A : i32
    "tpu.region"() ({
      %run_scoped3A = tpu.sem_alloc : memref<!tpu.dma_semaphore, #tpu.memory_space<semaphore_mem>>
      %dma_start3A_765 = arith.constant 0 : i32
      %dma_start3A_766 = tpu.memref_slice %arg3[%min3A_19, %dma_start3A_765] : memref<50x16384xi32, #tpu.memory_space<hbm>> -> memref<3x16384xi32, #tpu.memory_space<hbm>>
      %dma_start3A_767 = arith.constant 0 : i32
      %dma_start3A_768 = tpu.memref_slice %arg3[%min3A_19, %dma_start3A_767] : memref<50x16384xi32, #tpu.memory_space<hbm>> -> memref<3x16384xi32, #tpu.memory_space<hbm>>
      tpu.enqueue_dma source(%dma_start3A_768 : memref<3x16384xi32, #tpu.memory_space<hbm>>) target(%arg5 : memref<3x16384xi32, #tpu.memory_space<vmem>>) target_semaphore(%run_scoped3A : memref<!tpu.dma_semaphore, #tpu.memory_space<semaphore_mem>>)
      %dma_wait3A_769 = arith.constant 0 : i32
      %dma_wait3A_770 = tpu.memref_slice %arg3[%min3A_19, %dma_wait3A_769] : memref<50x16384xi32, #tpu.memory_space<hbm>> -> memref<3x16384xi32, #tpu.memory_space<hbm>>
      %dma_wait3A_771 = arith.constant 0 : i32
      %dma_wait3A_772 = tpu.memref_slice %arg3[%min3A_19, %dma_wait3A_771] : memref<50x16384xi32, #tpu.memory_space<hbm>> -> memref<3x16384xi32, #tpu.memory_space<hbm>>
      tpu.wait_dma2 semaphore(%run_scoped3A : memref<!tpu.dma_semaphore, #tpu.memory_space<semaphore_mem>>) src(%dma_wait3A_772 : memref<3x16384xi32, #tpu.memory_space<hbm>>) dst(%arg5 : memref<3x16384xi32, #tpu.memory_space<vmem>>)
      tpu.yield
    }) : () -> ()
    %add3A_20 = arith.constant 0 : i32
    %add3A_21 = arith.addi %mul3A_2, %add3A_20 : i32
    %jit3A_22 = arith.constant 16384 : i32
    %div3A_23 = arith.divsi %add3A_21, %jit3A_22 : i32
    %sign3A_24 = arith.constant 0 : i32
    %sign3A_25 = arith.cmpi sgt, %add3A_21, %sign3A_24 : i32
    %sign3A_26 = arith.extui %sign3A_25 : i1 to i32
    %sign3A_27 = arith.constant 0 : i32
    %sign3A_28 = arith.cmpi slt, %add3A_21, %sign3A_27 : i32
    %sign3A_29 = arith.extui %sign3A_28 : i1 to i32
    %sign3A_30 = arith.subi %sign3A_26, %sign3A_29 : i32
    %sign3A_31 = arith.constant 0 : i32
    %sign3A_32 = arith.cmpi sgt, %jit3A_22, %sign3A_31 : i32
    %sign3A_33 = arith.extui %sign3A_32 : i1 to i32
    %sign3A_34 = arith.constant 0 : i32
    %sign3A_35 = arith.cmpi slt, %jit3A_22, %sign3A_34 : i32
    %sign3A_36 = arith.extui %sign3A_35 : i1 to i32
    %sign3A_37 = arith.subi %sign3A_33, %sign3A_36 : i32
    %ne3A_38 = arith.cmpi ne, %sign3A_30, %sign3A_37 : i32
    %rem3A_39 = arith.remsi %add3A_21, %jit3A_22 : i32
    %ne3A_40 = arith.constant 0 : i32
    %ne3A_41 = arith.cmpi ne, %rem3A_39, %ne3A_40 : i32
    %and3A_42 = arith.andi %ne3A_38, %ne3A_41 : i1
    %sub3A_43 = arith.constant 1 : i32
    %sub3A_44 = arith.subi %div3A_23, %sub3A_43 : i32
    %select_n3A_45 = arith.select %and3A_42, %sub3A_44, %div3A_23 : i32
    %sub3A_46 = arith.subi %select_n3A_45, %min3A_19 : i32
    %jit3A_47 = arith.constant 16384 : i32
    %eq3A = arith.constant 0 : i32
    %eq3A_48 = arith.cmpi eq, %jit3A_47, %eq3A : i32
    %jit3A_49 = arith.constant 1 : i32
    %select_n3A_50 = arith.select %eq3A_48, %jit3A_49, %jit3A_47 : i32
    %rem3A_51 = arith.remsi %add3A_21, %select_n3A_50 : i32
    %ne3A_52 = arith.constant 0 : i32
    %ne3A_53 = arith.cmpi ne, %rem3A_51, %ne3A_52 : i32
    %lt3A = arith.constant 0 : i32
    %lt3A_54 = arith.cmpi slt, %rem3A_51, %lt3A : i32
    %lt3A_55 = arith.constant 0 : i32
    %lt3A_56 = arith.cmpi slt, %select_n3A_50, %lt3A_55 : i32
    %ne3A_57 = arith.xori %lt3A_54, %lt3A_56 : i1
    %and3A_58 = arith.andi %ne3A_57, %ne3A_53 : i1
    %add3A_59 = arith.addi %rem3A_51, %select_n3A_50 : i32
    %select_n3A_60 = arith.select %and3A_58, %add3A_59, %rem3A_51 : i32
    %dma_start3A = arith.constant 0 : i32
    %dma_start3A_61 = arith.constant 0 : i32
    %dma_start3A_62 = arith.constant 0 : i32
    %dma_start3A_63 = tpu.memref_slice %arg6[%dma_start3A, %dma_start3A_61, %dma_start3A_62] : memref<8x128x64xf32, #tpu.memory_space<vmem>> -> memref<1x128x64xf32, #tpu.memory_space<vmem>>
    %dma_start3A_64 = tpu.memref_squeeze %dma_start3A_63 : memref<1x128x64xf32, #tpu.memory_space<vmem>> -> memref<128x64xf32, #tpu.memory_space<vmem>>
    %dma_start3A_65 = tpu.memref_slice %arg5[%sub3A_46, %select_n3A_60] : memref<3x16384xi32, #tpu.memory_space<vmem>> -> memref<1x128xi32, #tpu.memory_space<vmem>>
    %dma_start3A_66 = tpu.memref_squeeze %dma_start3A_65 : memref<1x128xi32, #tpu.memory_space<vmem>> -> memref<128xi32, #tpu.memory_space<vmem>>
    %dma_start3A_67 = arith.constant 0 : i32
    %dma_start3A_68 = arith.constant 0 : i32
    %dma_start3A_69 = tpu.memref_slice %arg2[%dma_start3A_67, %dma_start3A_68] : memref<1000000x64xf32, #tpu.memory_space<hbm>> -> memref<1000000x64xf32, #tpu.memory_space<hbm>>
    tpu.enqueue_indirect_dma source(%dma_start3A_69 : memref<1000000x64xf32, #tpu.memory_space<hbm>>) target(%dma_start3A_64 : memref<128x64xf32, #tpu.memory_space<vmem>>) offsets(%dma_start3A_66 : memref<128xi32, #tpu.memory_space<vmem>>) semaphore(%arg7 : memref<!tpu.dma_semaphore, #tpu.memory_space<semaphore_mem>>)
    %add3A_70 = arith.constant 128 : i32
    %add3A_71 = arith.addi %mul3A_2, %add3A_70 : i32
    %jit3A_72 = arith.constant 16384 : i32
    %div3A_73 = arith.divsi %add3A_71, %jit3A_72 : i32
    %sign3A_74 = arith.constant 0 : i32
    %sign3A_75 = arith.cmpi sgt, %add3A_71, %sign3A_74 : i32
    %sign3A_76 = arith.extui %sign3A_75 : i1 to i32
    %sign3A_77 = arith.constant 0 : i32
    %sign3A_78 = arith.cmpi slt, %add3A_71, %sign3A_77 : i32
    %sign3A_79 = arith.extui %sign3A_78 : i1 to i32
    %sign3A_80 = arith.subi %sign3A_76, %sign3A_79 : i32
    %sign3A_81 = arith.constant 0 : i32
    %sign3A_82 = arith.cmpi sgt, %jit3A_72, %sign3A_81 : i32
    %sign3A_83 = arith.extui %sign3A_82 : i1 to i32
    %sign3A_84 = arith.constant 0 : i32
    %sign3A_85 = arith.cmpi slt, %jit3A_72, %sign3A_84 : i32
    %sign3A_86 = arith.extui %sign3A_85 : i1 to i32
    %sign3A_87 = arith.subi %sign3A_83, %sign3A_86 : i32
    %ne3A_88 = arith.cmpi ne, %sign3A_80, %sign3A_87 : i32
    %rem3A_89 = arith.remsi %add3A_71, %jit3A_72 : i32
    %ne3A_90 = arith.constant 0 : i32
    %ne3A_91 = arith.cmpi ne, %rem3A_89, %ne3A_90 : i32
    %and3A_92 = arith.andi %ne3A_88, %ne3A_91 : i1
    %sub3A_93 = arith.constant 1 : i32
    %sub3A_94 = arith.subi %div3A_73, %sub3A_93 : i32
    %select_n3A_95 = arith.select %and3A_92, %sub3A_94, %div3A_73 : i32
    %sub3A_96 = arith.subi %select_n3A_95, %min3A_19 : i32
    %jit3A_97 = arith.constant 16384 : i32
    %eq3A_98 = arith.constant 0 : i32
    %eq3A_99 = arith.cmpi eq, %jit3A_97, %eq3A_98 : i32
    %jit3A_100 = arith.constant 1 : i32
    %select_n3A_101 = arith.select %eq3A_99, %jit3A_100, %jit3A_97 : i32
    %rem3A_102 = arith.remsi %add3A_71, %select_n3A_101 : i32
    %ne3A_103 = arith.constant 0 : i32
    %ne3A_104 = arith.cmpi ne, %rem3A_102, %ne3A_103 : i32
    %lt3A_105 = arith.constant 0 : i32
    %lt3A_106 = arith.cmpi slt, %rem3A_102, %lt3A_105 : i32
    %lt3A_107 = arith.constant 0 : i32
    %lt3A_108 = arith.cmpi slt, %select_n3A_101, %lt3A_107 : i32
    %ne3A_109 = arith.xori %lt3A_106, %lt3A_108 : i1
    %and3A_110 = arith.andi %ne3A_109, %ne3A_104 : i1
    %add3A_111 = arith.addi %rem3A_102, %select_n3A_101 : i32
    %select_n3A_112 = arith.select %and3A_110, %add3A_111, %rem3A_102 : i32
    %dma_start3A_113 = arith.constant 1 : i32
    %dma_start3A_114 = arith.constant 0 : i32
    %dma_start3A_115 = arith.constant 0 : i32
    %dma_start3A_116 = tpu.memref_slice %arg6[%dma_start3A_113, %dma_start3A_114, %dma_start3A_115] : memref<8x128x64xf32, #tpu.memory_space<vmem>> -> memref<1x128x64xf32, #tpu.memory_space<vmem>>
    %dma_start3A_117 = tpu.memref_squeeze %dma_start3A_116 : memref<1x128x64xf32, #tpu.memory_space<vmem>> -> memref<128x64xf32, #tpu.memory_space<vmem>>
    %dma_start3A_118 = tpu.memref_slice %arg5[%sub3A_96, %select_n3A_112] : memref<3x16384xi32, #tpu.memory_space<vmem>> -> memref<1x128xi32, #tpu.memory_space<vmem>>
    %dma_start3A_119 = tpu.memref_squeeze %dma_start3A_118 : memref<1x128xi32, #tpu.memory_space<vmem>> -> memref<128xi32, #tpu.memory_space<vmem>>
    %dma_start3A_120 = arith.constant 0 : i32
    %dma_start3A_121 = arith.constant 0 : i32
    %dma_start3A_122 = tpu.memref_slice %arg2[%dma_start3A_120, %dma_start3A_121] : memref<1000000x64xf32, #tpu.memory_space<hbm>> -> memref<1000000x64xf32, #tpu.memory_space<hbm>>
    tpu.enqueue_indirect_dma source(%dma_start3A_122 : memref<1000000x64xf32, #tpu.memory_space<hbm>>) target(%dma_start3A_117 : memref<128x64xf32, #tpu.memory_space<vmem>>) offsets(%dma_start3A_119 : memref<128xi32, #tpu.memory_space<vmem>>) semaphore(%arg8 : memref<!tpu.dma_semaphore, #tpu.memory_space<semaphore_mem>>)
    %add3A_123 = arith.constant 256 : i32
    %add3A_124 = arith.addi %mul3A_2, %add3A_123 : i32
    %jit3A_125 = arith.constant 16384 : i32
    %div3A_126 = arith.divsi %add3A_124, %jit3A_125 : i32
    %sign3A_127 = arith.constant 0 : i32
    %sign3A_128 = arith.cmpi sgt, %add3A_124, %sign3A_127 : i32
    %sign3A_129 = arith.extui %sign3A_128 : i1 to i32
    %sign3A_130 = arith.constant 0 : i32
    %sign3A_131 = arith.cmpi slt, %add3A_124, %sign3A_130 : i32
    %sign3A_132 = arith.extui %sign3A_131 : i1 to i32
    %sign3A_133 = arith.subi %sign3A_129, %sign3A_132 : i32
    %sign3A_134 = arith.constant 0 : i32
    %sign3A_135 = arith.cmpi sgt, %jit3A_125, %sign3A_134 : i32
    %sign3A_136 = arith.extui %sign3A_135 : i1 to i32
    %sign3A_137 = arith.constant 0 : i32
    %sign3A_138 = arith.cmpi slt, %jit3A_125, %sign3A_137 : i32
    %sign3A_139 = arith.extui %sign3A_138 : i1 to i32
    %sign3A_140 = arith.subi %sign3A_136, %sign3A_139 : i32
    %ne3A_141 = arith.cmpi ne, %sign3A_133, %sign3A_140 : i32
    %rem3A_142 = arith.remsi %add3A_124, %jit3A_125 : i32
    %ne3A_143 = arith.constant 0 : i32
    %ne3A_144 = arith.cmpi ne, %rem3A_142, %ne3A_143 : i32
    %and3A_145 = arith.andi %ne3A_141, %ne3A_144 : i1
    %sub3A_146 = arith.constant 1 : i32
    %sub3A_147 = arith.subi %div3A_126, %sub3A_146 : i32
    %select_n3A_148 = arith.select %and3A_145, %sub3A_147, %div3A_126 : i32
    %sub3A_149 = arith.subi %select_n3A_148, %min3A_19 : i32
    %jit3A_150 = arith.constant 16384 : i32
    %eq3A_151 = arith.constant 0 : i32
    %eq3A_152 = arith.cmpi eq, %jit3A_150, %eq3A_151 : i32
    %jit3A_153 = arith.constant 1 : i32
    %select_n3A_154 = arith.select %eq3A_152, %jit3A_153, %jit3A_150 : i32
    %rem3A_155 = arith.remsi %add3A_124, %select_n3A_154 : i32
    %ne3A_156 = arith.constant 0 : i32
    %ne3A_157 = arith.cmpi ne, %rem3A_155, %ne3A_156 : i32
    %lt3A_158 = arith.constant 0 : i32
    %lt3A_159 = arith.cmpi slt, %rem3A_155, %lt3A_158 : i32
    %lt3A_160 = arith.constant 0 : i32
    %lt3A_161 = arith.cmpi slt, %select_n3A_154, %lt3A_160 : i32
    %ne3A_162 = arith.xori %lt3A_159, %lt3A_161 : i1
    %and3A_163 = arith.andi %ne3A_162, %ne3A_157 : i1
    %add3A_164 = arith.addi %rem3A_155, %select_n3A_154 : i32
    %select_n3A_165 = arith.select %and3A_163, %add3A_164, %rem3A_155 : i32
    %dma_start3A_166 = arith.constant 2 : i32
    %dma_start3A_167 = arith.constant 0 : i32
    %dma_start3A_168 = arith.constant 0 : i32
    %dma_start3A_169 = tpu.memref_slice %arg6[%dma_start3A_166, %dma_start3A_167, %dma_start3A_168] : memref<8x128x64xf32, #tpu.memory_space<vmem>> -> memref<1x128x64xf32, #tpu.memory_space<vmem>>
    %dma_start3A_170 = tpu.memref_squeeze %dma_start3A_169 : memref<1x128x64xf32, #tpu.memory_space<vmem>> -> memref<128x64xf32, #tpu.memory_space<vmem>>
    %dma_start3A_171 = tpu.memref_slice %arg5[%sub3A_149, %select_n3A_165] : memref<3x16384xi32, #tpu.memory_space<vmem>> -> memref<1x128xi32, #tpu.memory_space<vmem>>
    %dma_start3A_172 = tpu.memref_squeeze %dma_start3A_171 : memref<1x128xi32, #tpu.memory_space<vmem>> -> memref<128xi32, #tpu.memory_space<vmem>>
    %dma_start3A_173 = arith.constant 0 : i32
    %dma_start3A_174 = arith.constant 0 : i32
    %dma_start3A_175 = tpu.memref_slice %arg2[%dma_start3A_173, %dma_start3A_174] : memref<1000000x64xf32, #tpu.memory_space<hbm>> -> memref<1000000x64xf32, #tpu.memory_space<hbm>>
    tpu.enqueue_indirect_dma source(%dma_start3A_175 : memref<1000000x64xf32, #tpu.memory_space<hbm>>) target(%dma_start3A_170 : memref<128x64xf32, #tpu.memory_space<vmem>>) offsets(%dma_start3A_172 : memref<128xi32, #tpu.memory_space<vmem>>) semaphore(%arg9 : memref<!tpu.dma_semaphore, #tpu.memory_space<semaphore_mem>>)
    %add3A_176 = arith.constant 384 : i32
    %add3A_177 = arith.addi %mul3A_2, %add3A_176 : i32
    %jit3A_178 = arith.constant 16384 : i32
    %div3A_179 = arith.divsi %add3A_177, %jit3A_178 : i32
    %sign3A_180 = arith.constant 0 : i32
    %sign3A_181 = arith.cmpi sgt, %add3A_177, %sign3A_180 : i32
    %sign3A_182 = arith.extui %sign3A_181 : i1 to i32
    %sign3A_183 = arith.constant 0 : i32
    %sign3A_184 = arith.cmpi slt, %add3A_177, %sign3A_183 : i32
    %sign3A_185 = arith.extui %sign3A_184 : i1 to i32
    %sign3A_186 = arith.subi %sign3A_182, %sign3A_185 : i32
    %sign3A_187 = arith.constant 0 : i32
    %sign3A_188 = arith.cmpi sgt, %jit3A_178, %sign3A_187 : i32
    %sign3A_189 = arith.extui %sign3A_188 : i1 to i32
    %sign3A_190 = arith.constant 0 : i32
    %sign3A_191 = arith.cmpi slt, %jit3A_178, %sign3A_190 : i32
    %sign3A_192 = arith.extui %sign3A_191 : i1 to i32
    %sign3A_193 = arith.subi %sign3A_189, %sign3A_192 : i32
    %ne3A_194 = arith.cmpi ne, %sign3A_186, %sign3A_193 : i32
    %rem3A_195 = arith.remsi %add3A_177, %jit3A_178 : i32
    %ne3A_196 = arith.constant 0 : i32
    %ne3A_197 = arith.cmpi ne, %rem3A_195, %ne3A_196 : i32
    %and3A_198 = arith.andi %ne3A_194, %ne3A_197 : i1
    %sub3A_199 = arith.constant 1 : i32
    %sub3A_200 = arith.subi %div3A_179, %sub3A_199 : i32
    %select_n3A_201 = arith.select %and3A_198, %sub3A_200, %div3A_179 : i32
    %sub3A_202 = arith.subi %select_n3A_201, %min3A_19 : i32
    %jit3A_203 = arith.constant 16384 : i32
    %eq3A_204 = arith.constant 0 : i32
    %eq3A_205 = arith.cmpi eq, %jit3A_203, %eq3A_204 : i32
    %jit3A_206 = arith.constant 1 : i32
    %select_n3A_207 = arith.select %eq3A_205, %jit3A_206, %jit3A_203 : i32
    %rem3A_208 = arith.remsi %add3A_177, %select_n3A_207 : i32
    %ne3A_209 = arith.constant 0 : i32
    %ne3A_210 = arith.cmpi ne, %rem3A_208, %ne3A_209 : i32
    %lt3A_211 = arith.constant 0 : i32
    %lt3A_212 = arith.cmpi slt, %rem3A_208, %lt3A_211 : i32
    %lt3A_213 = arith.constant 0 : i32
    %lt3A_214 = arith.cmpi slt, %select_n3A_207, %lt3A_213 : i32
    %ne3A_215 = arith.xori %lt3A_212, %lt3A_214 : i1
    %and3A_216 = arith.andi %ne3A_215, %ne3A_210 : i1
    %add3A_217 = arith.addi %rem3A_208, %select_n3A_207 : i32
    %select_n3A_218 = arith.select %and3A_216, %add3A_217, %rem3A_208 : i32
    %dma_start3A_219 = arith.constant 3 : i32
    %dma_start3A_220 = arith.constant 0 : i32
    %dma_start3A_221 = arith.constant 0 : i32
    %dma_start3A_222 = tpu.memref_slice %arg6[%dma_start3A_219, %dma_start3A_220, %dma_start3A_221] : memref<8x128x64xf32, #tpu.memory_space<vmem>> -> memref<1x128x64xf32, #tpu.memory_space<vmem>>
    %dma_start3A_223 = tpu.memref_squeeze %dma_start3A_222 : memref<1x128x64xf32, #tpu.memory_space<vmem>> -> memref<128x64xf32, #tpu.memory_space<vmem>>
    %dma_start3A_224 = tpu.memref_slice %arg5[%sub3A_202, %select_n3A_218] : memref<3x16384xi32, #tpu.memory_space<vmem>> -> memref<1x128xi32, #tpu.memory_space<vmem>>
    %dma_start3A_225 = tpu.memref_squeeze %dma_start3A_224 : memref<1x128xi32, #tpu.memory_space<vmem>> -> memref<128xi32, #tpu.memory_space<vmem>>
    %dma_start3A_226 = arith.constant 0 : i32
    %dma_start3A_227 = arith.constant 0 : i32
    %dma_start3A_228 = tpu.memref_slice %arg2[%dma_start3A_226, %dma_start3A_227] : memref<1000000x64xf32, #tpu.memory_space<hbm>> -> memref<1000000x64xf32, #tpu.memory_space<hbm>>
    tpu.enqueue_indirect_dma source(%dma_start3A_228 : memref<1000000x64xf32, #tpu.memory_space<hbm>>) target(%dma_start3A_223 : memref<128x64xf32, #tpu.memory_space<vmem>>) offsets(%dma_start3A_225 : memref<128xi32, #tpu.memory_space<vmem>>) semaphore(%arg10 : memref<!tpu.dma_semaphore, #tpu.memory_space<semaphore_mem>>)
    %dma_wait3A = arith.constant 0 : i32
    %dma_wait3A_229 = arith.constant 0 : i32
    %dma_wait3A_230 = arith.constant 0 : i32
    %dma_wait3A_231 = arith.constant 0 : i32
    %dma_wait3A_232 = tpu.memref_slice %arg6[%dma_wait3A_229, %dma_wait3A_230, %dma_wait3A_231] : memref<8x128x64xf32, #tpu.memory_space<vmem>> -> memref<1x128x64xf32, #tpu.memory_space<vmem>>
    %dma_wait3A_233 = tpu.memref_squeeze %dma_wait3A_232 : memref<1x128x64xf32, #tpu.memory_space<vmem>> -> memref<128x64xf32, #tpu.memory_space<vmem>>
    %dma_wait3A_234 = arith.constant 0 : i32
    %dma_wait3A_235 = tpu.memref_slice %arg5[%dma_wait3A, %dma_wait3A_234] : memref<3x16384xi32, #tpu.memory_space<vmem>> -> memref<1x128xi32, #tpu.memory_space<vmem>>
    %dma_wait3A_236 = tpu.memref_squeeze %dma_wait3A_235 : memref<1x128xi32, #tpu.memory_space<vmem>> -> memref<128xi32, #tpu.memory_space<vmem>>
    %dma_wait3A_237 = arith.constant 0 : i32
    %dma_wait3A_238 = arith.constant 0 : i32
    %dma_wait3A_239 = tpu.memref_slice %arg2[%dma_wait3A_237, %dma_wait3A_238] : memref<1000000x64xf32, #tpu.memory_space<hbm>> -> memref<1000000x64xf32, #tpu.memory_space<hbm>>
    tpu.wait_indirect_dma semaphore(%arg7 : memref<!tpu.dma_semaphore, #tpu.memory_space<semaphore_mem>>) src(%dma_wait3A_239 : memref<1000000x64xf32, #tpu.memory_space<hbm>>) dst(%dma_wait3A_233 : memref<128x64xf32, #tpu.memory_space<vmem>>)
    %add3A_240 = arith.constant 0 : i32
    %add3A_241 = arith.addi %mul3A_2, %add3A_240 : i32
    %dma_start3A_242 = arith.constant 0 : i32
    %dma_start3A_243 = arith.constant 0 : i32
    %dma_start3A_244 = arith.constant 0 : i32
    %dma_start3A_245 = tpu.memref_slice %arg6[%dma_start3A_242, %dma_start3A_243, %dma_start3A_244] : memref<8x128x64xf32, #tpu.memory_space<vmem>> -> memref<1x128x64xf32, #tpu.memory_space<vmem>>
    %dma_start3A_246 = tpu.memref_squeeze %dma_start3A_245 : memref<1x128x64xf32, #tpu.memory_space<vmem>> -> memref<128x64xf32, #tpu.memory_space<vmem>>
    %dma_start3A_247 = arith.constant 0 : i32
    %dma_start3A_248 = tpu.memref_slice %arg4[%add3A_241, %dma_start3A_247] : memref<819200x64xf32, #tpu.memory_space<hbm>> -> memref<128x64xf32, #tpu.memory_space<hbm>>
    %dma_start3A_249 = arith.constant 0 : i32
    %dma_start3A_250 = tpu.memref_slice %arg4[%add3A_241, %dma_start3A_249] : memref<819200x64xf32, #tpu.memory_space<hbm>> -> memref<128x64xf32, #tpu.memory_space<hbm>>
    %dma_start3A_251 = arith.constant 0 : i32
    %dma_start3A_252 = arith.constant 0 : i32
    %dma_start3A_253 = tpu.memref_slice %arg6[%dma_start3A_242, %dma_start3A_251, %dma_start3A_252] : memref<8x128x64xf32, #tpu.memory_space<vmem>> -> memref<1x128x64xf32, #tpu.memory_space<vmem>>
    %dma_start3A_254 = tpu.memref_squeeze %dma_start3A_253 : memref<1x128x64xf32, #tpu.memory_space<vmem>> -> memref<128x64xf32, #tpu.memory_space<vmem>>
    tpu.enqueue_dma source(%dma_start3A_254 : memref<128x64xf32, #tpu.memory_space<vmem>>) target(%dma_start3A_250 : memref<128x64xf32, #tpu.memory_space<hbm>>) target_semaphore(%arg7 : memref<!tpu.dma_semaphore, #tpu.memory_space<semaphore_mem>>)
    %add3A_255 = arith.constant 512 : i32
    %add3A_256 = arith.addi %mul3A_2, %add3A_255 : i32
    %jit3A_257 = arith.constant 16384 : i32
    %div3A_258 = arith.divsi %add3A_256, %jit3A_257 : i32
    %sign3A_259 = arith.constant 0 : i32
    %sign3A_260 = arith.cmpi sgt, %add3A_256, %sign3A_259 : i32
    %sign3A_261 = arith.extui %sign3A_260 : i1 to i32
    %sign3A_262 = arith.constant 0 : i32
    %sign3A_263 = arith.cmpi slt, %add3A_256, %sign3A_262 : i32
    %sign3A_264 = arith.extui %sign3A_263 : i1 to i32
    %sign3A_265 = arith.subi %sign3A_261, %sign3A_264 : i32
    %sign3A_266 = arith.constant 0 : i32
    %sign3A_267 = arith.cmpi sgt, %jit3A_257, %sign3A_266 : i32
    %sign3A_268 = arith.extui %sign3A_267 : i1 to i32
    %sign3A_269 = arith.constant 0 : i32
    %sign3A_270 = arith.cmpi slt, %jit3A_257, %sign3A_269 : i32
    %sign3A_271 = arith.extui %sign3A_270 : i1 to i32
    %sign3A_272 = arith.subi %sign3A_268, %sign3A_271 : i32
    %ne3A_273 = arith.cmpi ne, %sign3A_265, %sign3A_272 : i32
    %rem3A_274 = arith.remsi %add3A_256, %jit3A_257 : i32
    %ne3A_275 = arith.constant 0 : i32
    %ne3A_276 = arith.cmpi ne, %rem3A_274, %ne3A_275 : i32
    %and3A_277 = arith.andi %ne3A_273, %ne3A_276 : i1
    %sub3A_278 = arith.constant 1 : i32
    %sub3A_279 = arith.subi %div3A_258, %sub3A_278 : i32
    %select_n3A_280 = arith.select %and3A_277, %sub3A_279, %div3A_258 : i32
    %sub3A_281 = arith.subi %select_n3A_280, %min3A_19 : i32
    %jit3A_282 = arith.constant 16384 : i32
    %eq3A_283 = arith.constant 0 : i32
    %eq3A_284 = arith.cmpi eq, %jit3A_282, %eq3A_283 : i32
    %jit3A_285 = arith.constant 1 : i32
    %select_n3A_286 = arith.select %eq3A_284, %jit3A_285, %jit3A_282 : i32
    %rem3A_287 = arith.remsi %add3A_256, %select_n3A_286 : i32
    %ne3A_288 = arith.constant 0 : i32
    %ne3A_289 = arith.cmpi ne, %rem3A_287, %ne3A_288 : i32
    %lt3A_290 = arith.constant 0 : i32
    %lt3A_291 = arith.cmpi slt, %rem3A_287, %lt3A_290 : i32
    %lt3A_292 = arith.constant 0 : i32
    %lt3A_293 = arith.cmpi slt, %select_n3A_286, %lt3A_292 : i32
    %ne3A_294 = arith.xori %lt3A_291, %lt3A_293 : i1
    %and3A_295 = arith.andi %ne3A_294, %ne3A_289 : i1
    %add3A_296 = arith.addi %rem3A_287, %select_n3A_286 : i32
    %select_n3A_297 = arith.select %and3A_295, %add3A_296, %rem3A_287 : i32
    %dma_start3A_298 = arith.constant 4 : i32
    %dma_start3A_299 = arith.constant 0 : i32
    %dma_start3A_300 = arith.constant 0 : i32
    %dma_start3A_301 = tpu.memref_slice %arg6[%dma_start3A_298, %dma_start3A_299, %dma_start3A_300] : memref<8x128x64xf32, #tpu.memory_space<vmem>> -> memref<1x128x64xf32, #tpu.memory_space<vmem>>
    %dma_start3A_302 = tpu.memref_squeeze %dma_start3A_301 : memref<1x128x64xf32, #tpu.memory_space<vmem>> -> memref<128x64xf32, #tpu.memory_space<vmem>>
    %dma_start3A_303 = tpu.memref_slice %arg5[%sub3A_281, %select_n3A_297] : memref<3x16384xi32, #tpu.memory_space<vmem>> -> memref<1x128xi32, #tpu.memory_space<vmem>>
    %dma_start3A_304 = tpu.memref_squeeze %dma_start3A_303 : memref<1x128xi32, #tpu.memory_space<vmem>> -> memref<128xi32, #tpu.memory_space<vmem>>
    %dma_start3A_305 = arith.constant 0 : i32
    %dma_start3A_306 = arith.constant 0 : i32
    %dma_start3A_307 = tpu.memref_slice %arg2[%dma_start3A_305, %dma_start3A_306] : memref<1000000x64xf32, #tpu.memory_space<hbm>> -> memref<1000000x64xf32, #tpu.memory_space<hbm>>
    tpu.enqueue_indirect_dma source(%dma_start3A_307 : memref<1000000x64xf32, #tpu.memory_space<hbm>>) target(%dma_start3A_302 : memref<128x64xf32, #tpu.memory_space<vmem>>) offsets(%dma_start3A_304 : memref<128xi32, #tpu.memory_space<vmem>>) semaphore(%arg11 : memref<!tpu.dma_semaphore, #tpu.memory_space<semaphore_mem>>)
    %dma_wait3A_308 = arith.constant 0 : i32
    %dma_wait3A_309 = arith.constant 1 : i32
    %dma_wait3A_310 = arith.constant 0 : i32
    %dma_wait3A_311 = arith.constant 0 : i32
    %dma_wait3A_312 = tpu.memref_slice %arg6[%dma_wait3A_309, %dma_wait3A_310, %dma_wait3A_311] : memref<8x128x64xf32, #tpu.memory_space<vmem>> -> memref<1x128x64xf32, #tpu.memory_space<vmem>>
    %dma_wait3A_313 = tpu.memref_squeeze %dma_wait3A_312 : memref<1x128x64xf32, #tpu.memory_space<vmem>> -> memref<128x64xf32, #tpu.memory_space<vmem>>
    %dma_wait3A_314 = arith.constant 0 : i32
    %dma_wait3A_315 = tpu.memref_slice %arg5[%dma_wait3A_308, %dma_wait3A_314] : memref<3x16384xi32, #tpu.memory_space<vmem>> -> memref<1x128xi32, #tpu.memory_space<vmem>>
    %dma_wait3A_316 = tpu.memref_squeeze %dma_wait3A_315 : memref<1x128xi32, #tpu.memory_space<vmem>> -> memref<128xi32, #tpu.memory_space<vmem>>
    %dma_wait3A_317 = arith.constant 0 : i32
    %dma_wait3A_318 = arith.constant 0 : i32
    %dma_wait3A_319 = tpu.memref_slice %arg2[%dma_wait3A_317, %dma_wait3A_318] : memref<1000000x64xf32, #tpu.memory_space<hbm>> -> memref<1000000x64xf32, #tpu.memory_space<hbm>>
    tpu.wait_indirect_dma semaphore(%arg8 : memref<!tpu.dma_semaphore, #tpu.memory_space<semaphore_mem>>) src(%dma_wait3A_319 : memref<1000000x64xf32, #tpu.memory_space<hbm>>) dst(%dma_wait3A_313 : memref<128x64xf32, #tpu.memory_space<vmem>>)
    %add3A_320 = arith.constant 128 : i32
    %add3A_321 = arith.addi %mul3A_2, %add3A_320 : i32
    %dma_start3A_322 = arith.constant 1 : i32
    %dma_start3A_323 = arith.constant 0 : i32
    %dma_start3A_324 = arith.constant 0 : i32
    %dma_start3A_325 = tpu.memref_slice %arg6[%dma_start3A_322, %dma_start3A_323, %dma_start3A_324] : memref<8x128x64xf32, #tpu.memory_space<vmem>> -> memref<1x128x64xf32, #tpu.memory_space<vmem>>
    %dma_start3A_326 = tpu.memref_squeeze %dma_start3A_325 : memref<1x128x64xf32, #tpu.memory_space<vmem>> -> memref<128x64xf32, #tpu.memory_space<vmem>>
    %dma_start3A_327 = arith.constant 0 : i32
    %dma_start3A_328 = tpu.memref_slice %arg4[%add3A_321, %dma_start3A_327] : memref<819200x64xf32, #tpu.memory_space<hbm>> -> memref<128x64xf32, #tpu.memory_space<hbm>>
    %dma_start3A_329 = arith.constant 0 : i32
    %dma_start3A_330 = tpu.memref_slice %arg4[%add3A_321, %dma_start3A_329] : memref<819200x64xf32, #tpu.memory_space<hbm>> -> memref<128x64xf32, #tpu.memory_space<hbm>>
    %dma_start3A_331 = arith.constant 0 : i32
    %dma_start3A_332 = arith.constant 0 : i32
    %dma_start3A_333 = tpu.memref_slice %arg6[%dma_start3A_322, %dma_start3A_331, %dma_start3A_332] : memref<8x128x64xf32, #tpu.memory_space<vmem>> -> memref<1x128x64xf32, #tpu.memory_space<vmem>>
    %dma_start3A_334 = tpu.memref_squeeze %dma_start3A_333 : memref<1x128x64xf32, #tpu.memory_space<vmem>> -> memref<128x64xf32, #tpu.memory_space<vmem>>
    tpu.enqueue_dma source(%dma_start3A_334 : memref<128x64xf32, #tpu.memory_space<vmem>>) target(%dma_start3A_330 : memref<128x64xf32, #tpu.memory_space<hbm>>) target_semaphore(%arg8 : memref<!tpu.dma_semaphore, #tpu.memory_space<semaphore_mem>>)
    %add3A_335 = arith.constant 640 : i32
    %add3A_336 = arith.addi %mul3A_2, %add3A_335 : i32
    %jit3A_337 = arith.constant 16384 : i32
    %div3A_338 = arith.divsi %add3A_336, %jit3A_337 : i32
    %sign3A_339 = arith.constant 0 : i32
    %sign3A_340 = arith.cmpi sgt, %add3A_336, %sign3A_339 : i32
    %sign3A_341 = arith.extui %sign3A_340 : i1 to i32
    %sign3A_342 = arith.constant 0 : i32
    %sign3A_343 = arith.cmpi slt, %add3A_336, %sign3A_342 : i32
    %sign3A_344 = arith.extui %sign3A_343 : i1 to i32
    %sign3A_345 = arith.subi %sign3A_341, %sign3A_344 : i32
    %sign3A_346 = arith.constant 0 : i32
    %sign3A_347 = arith.cmpi sgt, %jit3A_337, %sign3A_346 : i32
    %sign3A_348 = arith.extui %sign3A_347 : i1 to i32
    %sign3A_349 = arith.constant 0 : i32
    %sign3A_350 = arith.cmpi slt, %jit3A_337, %sign3A_349 : i32
    %sign3A_351 = arith.extui %sign3A_350 : i1 to i32
    %sign3A_352 = arith.subi %sign3A_348, %sign3A_351 : i32
    %ne3A_353 = arith.cmpi ne, %sign3A_345, %sign3A_352 : i32
    %rem3A_354 = arith.remsi %add3A_336, %jit3A_337 : i32
    %ne3A_355 = arith.constant 0 : i32
    %ne3A_356 = arith.cmpi ne, %rem3A_354, %ne3A_355 : i32
    %and3A_357 = arith.andi %ne3A_353, %ne3A_356 : i1
    %sub3A_358 = arith.constant 1 : i32
    %sub3A_359 = arith.subi %div3A_338, %sub3A_358 : i32
    %select_n3A_360 = arith.select %and3A_357, %sub3A_359, %div3A_338 : i32
    %sub3A_361 = arith.subi %select_n3A_360, %min3A_19 : i32
    %jit3A_362 = arith.constant 16384 : i32
    %eq3A_363 = arith.constant 0 : i32
    %eq3A_364 = arith.cmpi eq, %jit3A_362, %eq3A_363 : i32
    %jit3A_365 = arith.constant 1 : i32
    %select_n3A_366 = arith.select %eq3A_364, %jit3A_365, %jit3A_362 : i32
    %rem3A_367 = arith.remsi %add3A_336, %select_n3A_366 : i32
    %ne3A_368 = arith.constant 0 : i32
    %ne3A_369 = arith.cmpi ne, %rem3A_367, %ne3A_368 : i32
    %lt3A_370 = arith.constant 0 : i32
    %lt3A_371 = arith.cmpi slt, %rem3A_367, %lt3A_370 : i32
    %lt3A_372 = arith.constant 0 : i32
    %lt3A_373 = arith.cmpi slt, %select_n3A_366, %lt3A_372 : i32
    %ne3A_374 = arith.xori %lt3A_371, %lt3A_373 : i1
    %and3A_375 = arith.andi %ne3A_374, %ne3A_369 : i1
    %add3A_376 = arith.addi %rem3A_367, %select_n3A_366 : i32
    %select_n3A_377 = arith.select %and3A_375, %add3A_376, %rem3A_367 : i32
    %dma_start3A_378 = arith.constant 5 : i32
    %dma_start3A_379 = arith.constant 0 : i32
    %dma_start3A_380 = arith.constant 0 : i32
    %dma_start3A_381 = tpu.memref_slice %arg6[%dma_start3A_378, %dma_start3A_379, %dma_start3A_380] : memref<8x128x64xf32, #tpu.memory_space<vmem>> -> memref<1x128x64xf32, #tpu.memory_space<vmem>>
    %dma_start3A_382 = tpu.memref_squeeze %dma_start3A_381 : memref<1x128x64xf32, #tpu.memory_space<vmem>> -> memref<128x64xf32, #tpu.memory_space<vmem>>
    %dma_start3A_383 = tpu.memref_slice %arg5[%sub3A_361, %select_n3A_377] : memref<3x16384xi32, #tpu.memory_space<vmem>> -> memref<1x128xi32, #tpu.memory_space<vmem>>
    %dma_start3A_384 = tpu.memref_squeeze %dma_start3A_383 : memref<1x128xi32, #tpu.memory_space<vmem>> -> memref<128xi32, #tpu.memory_space<vmem>>
    %dma_start3A_385 = arith.constant 0 : i32
    %dma_start3A_386 = arith.constant 0 : i32
    %dma_start3A_387 = tpu.memref_slice %arg2[%dma_start3A_385, %dma_start3A_386] : memref<1000000x64xf32, #tpu.memory_space<hbm>> -> memref<1000000x64xf32, #tpu.memory_space<hbm>>
    tpu.enqueue_indirect_dma source(%dma_start3A_387 : memref<1000000x64xf32, #tpu.memory_space<hbm>>) target(%dma_start3A_382 : memref<128x64xf32, #tpu.memory_space<vmem>>) offsets(%dma_start3A_384 : memref<128xi32, #tpu.memory_space<vmem>>) semaphore(%arg12 : memref<!tpu.dma_semaphore, #tpu.memory_space<semaphore_mem>>)
    %dma_wait3A_388 = arith.constant 0 : i32
    %dma_wait3A_389 = arith.constant 2 : i32
    %dma_wait3A_390 = arith.constant 0 : i32
    %dma_wait3A_391 = arith.constant 0 : i32
    %dma_wait3A_392 = tpu.memref_slice %arg6[%dma_wait3A_389, %dma_wait3A_390, %dma_wait3A_391] : memref<8x128x64xf32, #tpu.memory_space<vmem>> -> memref<1x128x64xf32, #tpu.memory_space<vmem>>
    %dma_wait3A_393 = tpu.memref_squeeze %dma_wait3A_392 : memref<1x128x64xf32, #tpu.memory_space<vmem>> -> memref<128x64xf32, #tpu.memory_space<vmem>>
    %dma_wait3A_394 = arith.constant 0 : i32
    %dma_wait3A_395 = tpu.memref_slice %arg5[%dma_wait3A_388, %dma_wait3A_394] : memref<3x16384xi32, #tpu.memory_space<vmem>> -> memref<1x128xi32, #tpu.memory_space<vmem>>
    %dma_wait3A_396 = tpu.memref_squeeze %dma_wait3A_395 : memref<1x128xi32, #tpu.memory_space<vmem>> -> memref<128xi32, #tpu.memory_space<vmem>>
    %dma_wait3A_397 = arith.constant 0 : i32
    %dma_wait3A_398 = arith.constant 0 : i32
    %dma_wait3A_399 = tpu.memref_slice %arg2[%dma_wait3A_397, %dma_wait3A_398] : memref<1000000x64xf32, #tpu.memory_space<hbm>> -> memref<1000000x64xf32, #tpu.memory_space<hbm>>
    tpu.wait_indirect_dma semaphore(%arg9 : memref<!tpu.dma_semaphore, #tpu.memory_space<semaphore_mem>>) src(%dma_wait3A_399 : memref<1000000x64xf32, #tpu.memory_space<hbm>>) dst(%dma_wait3A_393 : memref<128x64xf32, #tpu.memory_space<vmem>>)
    %add3A_400 = arith.constant 256 : i32
    %add3A_401 = arith.addi %mul3A_2, %add3A_400 : i32
    %dma_start3A_402 = arith.constant 2 : i32
    %dma_start3A_403 = arith.constant 0 : i32
    %dma_start3A_404 = arith.constant 0 : i32
    %dma_start3A_405 = tpu.memref_slice %arg6[%dma_start3A_402, %dma_start3A_403, %dma_start3A_404] : memref<8x128x64xf32, #tpu.memory_space<vmem>> -> memref<1x128x64xf32, #tpu.memory_space<vmem>>
    %dma_start3A_406 = tpu.memref_squeeze %dma_start3A_405 : memref<1x128x64xf32, #tpu.memory_space<vmem>> -> memref<128x64xf32, #tpu.memory_space<vmem>>
    %dma_start3A_407 = arith.constant 0 : i32
    %dma_start3A_408 = tpu.memref_slice %arg4[%add3A_401, %dma_start3A_407] : memref<819200x64xf32, #tpu.memory_space<hbm>> -> memref<128x64xf32, #tpu.memory_space<hbm>>
    %dma_start3A_409 = arith.constant 0 : i32
    %dma_start3A_410 = tpu.memref_slice %arg4[%add3A_401, %dma_start3A_409] : memref<819200x64xf32, #tpu.memory_space<hbm>> -> memref<128x64xf32, #tpu.memory_space<hbm>>
    %dma_start3A_411 = arith.constant 0 : i32
    %dma_start3A_412 = arith.constant 0 : i32
    %dma_start3A_413 = tpu.memref_slice %arg6[%dma_start3A_402, %dma_start3A_411, %dma_start3A_412] : memref<8x128x64xf32, #tpu.memory_space<vmem>> -> memref<1x128x64xf32, #tpu.memory_space<vmem>>
    %dma_start3A_414 = tpu.memref_squeeze %dma_start3A_413 : memref<1x128x64xf32, #tpu.memory_space<vmem>> -> memref<128x64xf32, #tpu.memory_space<vmem>>
    tpu.enqueue_dma source(%dma_start3A_414 : memref<128x64xf32, #tpu.memory_space<vmem>>) target(%dma_start3A_410 : memref<128x64xf32, #tpu.memory_space<hbm>>) target_semaphore(%arg9 : memref<!tpu.dma_semaphore, #tpu.memory_space<semaphore_mem>>)
    %add3A_415 = arith.constant 768 : i32
    %add3A_416 = arith.addi %mul3A_2, %add3A_415 : i32
    %jit3A_417 = arith.constant 16384 : i32
    %div3A_418 = arith.divsi %add3A_416, %jit3A_417 : i32
    %sign3A_419 = arith.constant 0 : i32
    %sign3A_420 = arith.cmpi sgt, %add3A_416, %sign3A_419 : i32
    %sign3A_421 = arith.extui %sign3A_420 : i1 to i32
    %sign3A_422 = arith.constant 0 : i32
    %sign3A_423 = arith.cmpi slt, %add3A_416, %sign3A_422 : i32
    %sign3A_424 = arith.extui %sign3A_423 : i1 to i32
    %sign3A_425 = arith.subi %sign3A_421, %sign3A_424 : i32
    %sign3A_426 = arith.constant 0 : i32
    %sign3A_427 = arith.cmpi sgt, %jit3A_417, %sign3A_426 : i32
    %sign3A_428 = arith.extui %sign3A_427 : i1 to i32
    %sign3A_429 = arith.constant 0 : i32
    %sign3A_430 = arith.cmpi slt, %jit3A_417, %sign3A_429 : i32
    %sign3A_431 = arith.extui %sign3A_430 : i1 to i32
    %sign3A_432 = arith.subi %sign3A_428, %sign3A_431 : i32
    %ne3A_433 = arith.cmpi ne, %sign3A_425, %sign3A_432 : i32
    %rem3A_434 = arith.remsi %add3A_416, %jit3A_417 : i32
    %ne3A_435 = arith.constant 0 : i32
    %ne3A_436 = arith.cmpi ne, %rem3A_434, %ne3A_435 : i32
    %and3A_437 = arith.andi %ne3A_433, %ne3A_436 : i1
    %sub3A_438 = arith.constant 1 : i32
    %sub3A_439 = arith.subi %div3A_418, %sub3A_438 : i32
    %select_n3A_440 = arith.select %and3A_437, %sub3A_439, %div3A_418 : i32
    %sub3A_441 = arith.subi %select_n3A_440, %min3A_19 : i32
    %jit3A_442 = arith.constant 16384 : i32
    %eq3A_443 = arith.constant 0 : i32
    %eq3A_444 = arith.cmpi eq, %jit3A_442, %eq3A_443 : i32
    %jit3A_445 = arith.constant 1 : i32
    %select_n3A_446 = arith.select %eq3A_444, %jit3A_445, %jit3A_442 : i32
    %rem3A_447 = arith.remsi %add3A_416, %select_n3A_446 : i32
    %ne3A_448 = arith.constant 0 : i32
    %ne3A_449 = arith.cmpi ne, %rem3A_447, %ne3A_448 : i32
    %lt3A_450 = arith.constant 0 : i32
    %lt3A_451 = arith.cmpi slt, %rem3A_447, %lt3A_450 : i32
    %lt3A_452 = arith.constant 0 : i32
    %lt3A_453 = arith.cmpi slt, %select_n3A_446, %lt3A_452 : i32
    %ne3A_454 = arith.xori %lt3A_451, %lt3A_453 : i1
    %and3A_455 = arith.andi %ne3A_454, %ne3A_449 : i1
    %add3A_456 = arith.addi %rem3A_447, %select_n3A_446 : i32
    %select_n3A_457 = arith.select %and3A_455, %add3A_456, %rem3A_447 : i32
    %dma_start3A_458 = arith.constant 6 : i32
    %dma_start3A_459 = arith.constant 0 : i32
    %dma_start3A_460 = arith.constant 0 : i32
    %dma_start3A_461 = tpu.memref_slice %arg6[%dma_start3A_458, %dma_start3A_459, %dma_start3A_460] : memref<8x128x64xf32, #tpu.memory_space<vmem>> -> memref<1x128x64xf32, #tpu.memory_space<vmem>>
    %dma_start3A_462 = tpu.memref_squeeze %dma_start3A_461 : memref<1x128x64xf32, #tpu.memory_space<vmem>> -> memref<128x64xf32, #tpu.memory_space<vmem>>
    %dma_start3A_463 = tpu.memref_slice %arg5[%sub3A_441, %select_n3A_457] : memref<3x16384xi32, #tpu.memory_space<vmem>> -> memref<1x128xi32, #tpu.memory_space<vmem>>
    %dma_start3A_464 = tpu.memref_squeeze %dma_start3A_463 : memref<1x128xi32, #tpu.memory_space<vmem>> -> memref<128xi32, #tpu.memory_space<vmem>>
    %dma_start3A_465 = arith.constant 0 : i32
    %dma_start3A_466 = arith.constant 0 : i32
    %dma_start3A_467 = tpu.memref_slice %arg2[%dma_start3A_465, %dma_start3A_466] : memref<1000000x64xf32, #tpu.memory_space<hbm>> -> memref<1000000x64xf32, #tpu.memory_space<hbm>>
    tpu.enqueue_indirect_dma source(%dma_start3A_467 : memref<1000000x64xf32, #tpu.memory_space<hbm>>) target(%dma_start3A_462 : memref<128x64xf32, #tpu.memory_space<vmem>>) offsets(%dma_start3A_464 : memref<128xi32, #tpu.memory_space<vmem>>) semaphore(%arg13 : memref<!tpu.dma_semaphore, #tpu.memory_space<semaphore_mem>>)
    %dma_wait3A_468 = arith.constant 0 : i32
    %dma_wait3A_469 = arith.constant 3 : i32
    %dma_wait3A_470 = arith.constant 0 : i32
    %dma_wait3A_471 = arith.constant 0 : i32
    %dma_wait3A_472 = tpu.memref_slice %arg6[%dma_wait3A_469, %dma_wait3A_470, %dma_wait3A_471] : memref<8x128x64xf32, #tpu.memory_space<vmem>> -> memref<1x128x64xf32, #tpu.memory_space<vmem>>
    %dma_wait3A_473 = tpu.memref_squeeze %dma_wait3A_472 : memref<1x128x64xf32, #tpu.memory_space<vmem>> -> memref<128x64xf32, #tpu.memory_space<vmem>>
    %dma_wait3A_474 = arith.constant 0 : i32
    %dma_wait3A_475 = tpu.memref_slice %arg5[%dma_wait3A_468, %dma_wait3A_474] : memref<3x16384xi32, #tpu.memory_space<vmem>> -> memref<1x128xi32, #tpu.memory_space<vmem>>
    %dma_wait3A_476 = tpu.memref_squeeze %dma_wait3A_475 : memref<1x128xi32, #tpu.memory_space<vmem>> -> memref<128xi32, #tpu.memory_space<vmem>>
    %dma_wait3A_477 = arith.constant 0 : i32
    %dma_wait3A_478 = arith.constant 0 : i32
    %dma_wait3A_479 = tpu.memref_slice %arg2[%dma_wait3A_477, %dma_wait3A_478] : memref<1000000x64xf32, #tpu.memory_space<hbm>> -> memref<1000000x64xf32, #tpu.memory_space<hbm>>
    tpu.wait_indirect_dma semaphore(%arg10 : memref<!tpu.dma_semaphore, #tpu.memory_space<semaphore_mem>>) src(%dma_wait3A_479 : memref<1000000x64xf32, #tpu.memory_space<hbm>>) dst(%dma_wait3A_473 : memref<128x64xf32, #tpu.memory_space<vmem>>)
    %add3A_480 = arith.constant 384 : i32
    %add3A_481 = arith.addi %mul3A_2, %add3A_480 : i32
    %dma_start3A_482 = arith.constant 3 : i32
    %dma_start3A_483 = arith.constant 0 : i32
    %dma_start3A_484 = arith.constant 0 : i32
    %dma_start3A_485 = tpu.memref_slice %arg6[%dma_start3A_482, %dma_start3A_483, %dma_start3A_484] : memref<8x128x64xf32, #tpu.memory_space<vmem>> -> memref<1x128x64xf32, #tpu.memory_space<vmem>>
    %dma_start3A_486 = tpu.memref_squeeze %dma_start3A_485 : memref<1x128x64xf32, #tpu.memory_space<vmem>> -> memref<128x64xf32, #tpu.memory_space<vmem>>
    %dma_start3A_487 = arith.constant 0 : i32
    %dma_start3A_488 = tpu.memref_slice %arg4[%add3A_481, %dma_start3A_487] : memref<819200x64xf32, #tpu.memory_space<hbm>> -> memref<128x64xf32, #tpu.memory_space<hbm>>
    %dma_start3A_489 = arith.constant 0 : i32
    %dma_start3A_490 = tpu.memref_slice %arg4[%add3A_481, %dma_start3A_489] : memref<819200x64xf32, #tpu.memory_space<hbm>> -> memref<128x64xf32, #tpu.memory_space<hbm>>
    %dma_start3A_491 = arith.constant 0 : i32
    %dma_start3A_492 = arith.constant 0 : i32
    %dma_start3A_493 = tpu.memref_slice %arg6[%dma_start3A_482, %dma_start3A_491, %dma_start3A_492] : memref<8x128x64xf32, #tpu.memory_space<vmem>> -> memref<1x128x64xf32, #tpu.memory_space<vmem>>
    %dma_start3A_494 = tpu.memref_squeeze %dma_start3A_493 : memref<1x128x64xf32, #tpu.memory_space<vmem>> -> memref<128x64xf32, #tpu.memory_space<vmem>>
    tpu.enqueue_dma source(%dma_start3A_494 : memref<128x64xf32, #tpu.memory_space<vmem>>) target(%dma_start3A_490 : memref<128x64xf32, #tpu.memory_space<hbm>>) target_semaphore(%arg10 : memref<!tpu.dma_semaphore, #tpu.memory_space<semaphore_mem>>)
    %add3A_495 = arith.constant 896 : i32
    %add3A_496 = arith.addi %mul3A_2, %add3A_495 : i32
    %jit3A_497 = arith.constant 16384 : i32
    %div3A_498 = arith.divsi %add3A_496, %jit3A_497 : i32
    %sign3A_499 = arith.constant 0 : i32
    %sign3A_500 = arith.cmpi sgt, %add3A_496, %sign3A_499 : i32
    %sign3A_501 = arith.extui %sign3A_500 : i1 to i32
    %sign3A_502 = arith.constant 0 : i32
    %sign3A_503 = arith.cmpi slt, %add3A_496, %sign3A_502 : i32
    %sign3A_504 = arith.extui %sign3A_503 : i1 to i32
    %sign3A_505 = arith.subi %sign3A_501, %sign3A_504 : i32
    %sign3A_506 = arith.constant 0 : i32
    %sign3A_507 = arith.cmpi sgt, %jit3A_497, %sign3A_506 : i32
    %sign3A_508 = arith.extui %sign3A_507 : i1 to i32
    %sign3A_509 = arith.constant 0 : i32
    %sign3A_510 = arith.cmpi slt, %jit3A_497, %sign3A_509 : i32
    %sign3A_511 = arith.extui %sign3A_510 : i1 to i32
    %sign3A_512 = arith.subi %sign3A_508, %sign3A_511 : i32
    %ne3A_513 = arith.cmpi ne, %sign3A_505, %sign3A_512 : i32
    %rem3A_514 = arith.remsi %add3A_496, %jit3A_497 : i32
    %ne3A_515 = arith.constant 0 : i32
    %ne3A_516 = arith.cmpi ne, %rem3A_514, %ne3A_515 : i32
    %and3A_517 = arith.andi %ne3A_513, %ne3A_516 : i1
    %sub3A_518 = arith.constant 1 : i32
    %sub3A_519 = arith.subi %div3A_498, %sub3A_518 : i32
    %select_n3A_520 = arith.select %and3A_517, %sub3A_519, %div3A_498 : i32
    %sub3A_521 = arith.subi %select_n3A_520, %min3A_19 : i32
    %jit3A_522 = arith.constant 16384 : i32
    %eq3A_523 = arith.constant 0 : i32
    %eq3A_524 = arith.cmpi eq, %jit3A_522, %eq3A_523 : i32
    %jit3A_525 = arith.constant 1 : i32
    %select_n3A_526 = arith.select %eq3A_524, %jit3A_525, %jit3A_522 : i32
    %rem3A_527 = arith.remsi %add3A_496, %select_n3A_526 : i32
    %ne3A_528 = arith.constant 0 : i32
    %ne3A_529 = arith.cmpi ne, %rem3A_527, %ne3A_528 : i32
    %lt3A_530 = arith.constant 0 : i32
    %lt3A_531 = arith.cmpi slt, %rem3A_527, %lt3A_530 : i32
    %lt3A_532 = arith.constant 0 : i32
    %lt3A_533 = arith.cmpi slt, %select_n3A_526, %lt3A_532 : i32
    %ne3A_534 = arith.xori %lt3A_531, %lt3A_533 : i1
    %and3A_535 = arith.andi %ne3A_534, %ne3A_529 : i1
    %add3A_536 = arith.addi %rem3A_527, %select_n3A_526 : i32
    %select_n3A_537 = arith.select %and3A_535, %add3A_536, %rem3A_527 : i32
    %dma_start3A_538 = arith.constant 7 : i32
    %dma_start3A_539 = arith.constant 0 : i32
    %dma_start3A_540 = arith.constant 0 : i32
    %dma_start3A_541 = tpu.memref_slice %arg6[%dma_start3A_538, %dma_start3A_539, %dma_start3A_540] : memref<8x128x64xf32, #tpu.memory_space<vmem>> -> memref<1x128x64xf32, #tpu.memory_space<vmem>>
    %dma_start3A_542 = tpu.memref_squeeze %dma_start3A_541 : memref<1x128x64xf32, #tpu.memory_space<vmem>> -> memref<128x64xf32, #tpu.memory_space<vmem>>
    %dma_start3A_543 = tpu.memref_slice %arg5[%sub3A_521, %select_n3A_537] : memref<3x16384xi32, #tpu.memory_space<vmem>> -> memref<1x128xi32, #tpu.memory_space<vmem>>
    %dma_start3A_544 = tpu.memref_squeeze %dma_start3A_543 : memref<1x128xi32, #tpu.memory_space<vmem>> -> memref<128xi32, #tpu.memory_space<vmem>>
    %dma_start3A_545 = arith.constant 0 : i32
    %dma_start3A_546 = arith.constant 0 : i32
    %dma_start3A_547 = tpu.memref_slice %arg2[%dma_start3A_545, %dma_start3A_546] : memref<1000000x64xf32, #tpu.memory_space<hbm>> -> memref<1000000x64xf32, #tpu.memory_space<hbm>>
    tpu.enqueue_indirect_dma source(%dma_start3A_547 : memref<1000000x64xf32, #tpu.memory_space<hbm>>) target(%dma_start3A_542 : memref<128x64xf32, #tpu.memory_space<vmem>>) offsets(%dma_start3A_544 : memref<128xi32, #tpu.memory_space<vmem>>) semaphore(%arg14 : memref<!tpu.dma_semaphore, #tpu.memory_space<semaphore_mem>>)
    %scan3A = arith.constant 0 : i32
    %scan3A_548 = arith.constant 0 : i32
    %scan3A_549 = arith.constant 24 : i32
    %scan3A_550 = arith.addi %scan3A_548, %scan3A_549 : i32
    %scan3A_551 = arith.constant 1 : i32
    scf.for %scan3A_765 = %scan3A_548 to %scan3A_550 step %scan3A_551  : i32 {
      %mul3A_766 = arith.constant 8 : i32
      %mul3A_767 = arith.muli %scan3A_765, %mul3A_766 : i32
      %add3A_768 = arith.constant 4 : i32
      %add3A_769 = arith.addi %add3A_768, %mul3A_767 : i32
      %add3A_770 = arith.constant 0 : i32
      %add3A_771 = arith.addi %add3A_769, %add3A_770 : i32
      %dma_wait3A_772 = arith.constant 0 : i32
      %dma_wait3A_773 = arith.constant 4 : i32
      %dma_wait3A_774 = arith.constant 0 : i32
      %dma_wait3A_775 = arith.constant 0 : i32
      %dma_wait3A_776 = tpu.memref_slice %arg6[%dma_wait3A_773, %dma_wait3A_774, %dma_wait3A_775] : memref<8x128x64xf32, #tpu.memory_space<vmem>> -> memref<1x128x64xf32, #tpu.memory_space<vmem>>
      %dma_wait3A_777 = tpu.memref_squeeze %dma_wait3A_776 : memref<1x128x64xf32, #tpu.memory_space<vmem>> -> memref<128x64xf32, #tpu.memory_space<vmem>>
      %dma_wait3A_778 = arith.constant 0 : i32
      %dma_wait3A_779 = tpu.memref_slice %arg5[%dma_wait3A_772, %dma_wait3A_778] : memref<3x16384xi32, #tpu.memory_space<vmem>> -> memref<1x128xi32, #tpu.memory_space<vmem>>
      %dma_wait3A_780 = tpu.memref_squeeze %dma_wait3A_779 : memref<1x128xi32, #tpu.memory_space<vmem>> -> memref<128xi32, #tpu.memory_space<vmem>>
      %dma_wait3A_781 = arith.constant 0 : i32
      %dma_wait3A_782 = arith.constant 0 : i32
      %dma_wait3A_783 = tpu.memref_slice %arg2[%dma_wait3A_781, %dma_wait3A_782] : memref<1000000x64xf32, #tpu.memory_space<hbm>> -> memref<1000000x64xf32, #tpu.memory_space<hbm>>
      tpu.wait_indirect_dma semaphore(%arg11 : memref<!tpu.dma_semaphore, #tpu.memory_space<semaphore_mem>>) src(%dma_wait3A_783 : memref<1000000x64xf32, #tpu.memory_space<hbm>>) dst(%dma_wait3A_777 : memref<128x64xf32, #tpu.memory_space<vmem>>)
      %mul3A_784 = arith.constant 128 : i32
      %mul3A_785 = arith.muli %add3A_771, %mul3A_784 : i32
      %add3A_786 = arith.addi %mul3A_2, %mul3A_785 : i32
      %dma_start3A_787 = arith.constant 4 : i32
      %dma_start3A_788 = arith.constant 0 : i32
      %dma_start3A_789 = arith.constant 0 : i32
      %dma_start3A_790 = tpu.memref_slice %arg6[%dma_start3A_787, %dma_start3A_788, %dma_start3A_789] : memref<8x128x64xf32, #tpu.memory_space<vmem>> -> memref<1x128x64xf32, #tpu.memory_space<vmem>>
      %dma_start3A_791 = tpu.memref_squeeze %dma_start3A_790 : memref<1x128x64xf32, #tpu.memory_space<vmem>> -> memref<128x64xf32, #tpu.memory_space<vmem>>
      %dma_start3A_792 = arith.constant 0 : i32
      %dma_start3A_793 = tpu.memref_slice %arg4[%add3A_786, %dma_start3A_792] : memref<819200x64xf32, #tpu.memory_space<hbm>> -> memref<128x64xf32, #tpu.memory_space<hbm>>
      %dma_start3A_794 = arith.constant 0 : i32
      %dma_start3A_795 = tpu.memref_slice %arg4[%add3A_786, %dma_start3A_794] : memref<819200x64xf32, #tpu.memory_space<hbm>> -> memref<128x64xf32, #tpu.memory_space<hbm>>
      %dma_start3A_796 = arith.constant 0 : i32
      %dma_start3A_797 = arith.constant 0 : i32
      %dma_start3A_798 = tpu.memref_slice %arg6[%dma_start3A_787, %dma_start3A_796, %dma_start3A_797] : memref<8x128x64xf32, #tpu.memory_space<vmem>> -> memref<1x128x64xf32, #tpu.memory_space<vmem>>
      %dma_start3A_799 = tpu.memref_squeeze %dma_start3A_798 : memref<1x128x64xf32, #tpu.memory_space<vmem>> -> memref<128x64xf32, #tpu.memory_space<vmem>>
      tpu.enqueue_dma source(%dma_start3A_799 : memref<128x64xf32, #tpu.memory_space<vmem>>) target(%dma_start3A_795 : memref<128x64xf32, #tpu.memory_space<hbm>>) target_semaphore(%arg11 : memref<!tpu.dma_semaphore, #tpu.memory_space<semaphore_mem>>)
      %dma_wait3A_800 = arith.constant 0 : i32
      %dma_wait3A_801 = arith.constant 0 : i32
      %dma_wait3A_802 = arith.constant 0 : i32
      %dma_wait3A_803 = tpu.memref_slice %arg6[%dma_wait3A_800, %dma_wait3A_801, %dma_wait3A_802] : memref<8x128x64xf32, #tpu.memory_space<vmem>> -> memref<1x128x64xf32, #tpu.memory_space<vmem>>
      %dma_wait3A_804 = tpu.memref_squeeze %dma_wait3A_803 : memref<1x128x64xf32, #tpu.memory_space<vmem>> -> memref<128x64xf32, #tpu.memory_space<vmem>>
      %dma_wait3A_805 = arith.constant 0 : i32
      %dma_wait3A_806 = tpu.memref_slice %arg4[%mul3A_2, %dma_wait3A_805] : memref<819200x64xf32, #tpu.memory_space<hbm>> -> memref<128x64xf32, #tpu.memory_space<hbm>>
      %dma_wait3A_807 = arith.constant 0 : i32
      %dma_wait3A_808 = tpu.memref_slice %arg4[%mul3A_2, %dma_wait3A_807] : memref<819200x64xf32, #tpu.memory_space<hbm>> -> memref<128x64xf32, #tpu.memory_space<hbm>>
      %dma_wait3A_809 = arith.constant 0 : i32
      %dma_wait3A_810 = arith.constant 0 : i32
      %dma_wait3A_811 = tpu.memref_slice %arg6[%dma_wait3A_800, %dma_wait3A_809, %dma_wait3A_810] : memref<8x128x64xf32, #tpu.memory_space<vmem>> -> memref<1x128x64xf32, #tpu.memory_space<vmem>>
      %dma_wait3A_812 = tpu.memref_squeeze %dma_wait3A_811 : memref<1x128x64xf32, #tpu.memory_space<vmem>> -> memref<128x64xf32, #tpu.memory_space<vmem>>
      tpu.wait_dma2 semaphore(%arg7 : memref<!tpu.dma_semaphore, #tpu.memory_space<semaphore_mem>>) src(%dma_wait3A_812 : memref<128x64xf32, #tpu.memory_space<vmem>>) dst(%dma_wait3A_808 : memref<128x64xf32, #tpu.memory_space<hbm>>)
      %add3A_813 = arith.constant 4 : i32
      %add3A_814 = arith.addi %add3A_771, %add3A_813 : i32
      %mul3A_815 = arith.constant 128 : i32
      %mul3A_816 = arith.muli %add3A_814, %mul3A_815 : i32
      %add3A_817 = arith.addi %mul3A_2, %mul3A_816 : i32
      %jit3A_818 = arith.constant 16384 : i32
      %div3A_819 = arith.divsi %add3A_817, %jit3A_818 : i32
      %sign3A_820 = arith.constant 0 : i32
      %sign3A_821 = arith.cmpi sgt, %add3A_817, %sign3A_820 : i32
      %sign3A_822 = arith.extui %sign3A_821 : i1 to i32
      %sign3A_823 = arith.constant 0 : i32
      %sign3A_824 = arith.cmpi slt, %add3A_817, %sign3A_823 : i32
      %sign3A_825 = arith.extui %sign3A_824 : i1 to i32
      %sign3A_826 = arith.subi %sign3A_822, %sign3A_825 : i32
      %sign3A_827 = arith.constant 0 : i32
      %sign3A_828 = arith.cmpi sgt, %jit3A_818, %sign3A_827 : i32
      %sign3A_829 = arith.extui %sign3A_828 : i1 to i32
      %sign3A_830 = arith.constant 0 : i32
      %sign3A_831 = arith.cmpi slt, %jit3A_818, %sign3A_830 : i32
      %sign3A_832 = arith.extui %sign3A_831 : i1 to i32
      %sign3A_833 = arith.subi %sign3A_829, %sign3A_832 : i32
      %ne3A_834 = arith.cmpi ne, %sign3A_826, %sign3A_833 : i32
      %rem3A_835 = arith.remsi %add3A_817, %jit3A_818 : i32
      %ne3A_836 = arith.constant 0 : i32
      %ne3A_837 = arith.cmpi ne, %rem3A_835, %ne3A_836 : i32
      %and3A_838 = arith.andi %ne3A_834, %ne3A_837 : i1
      %sub3A_839 = arith.constant 1 : i32
      %sub3A_840 = arith.subi %div3A_819, %sub3A_839 : i32
      %select_n3A_841 = arith.select %and3A_838, %sub3A_840, %div3A_819 : i32
      %sub3A_842 = arith.subi %select_n3A_841, %min3A_19 : i32
      %jit3A_843 = arith.constant 16384 : i32
      %eq3A_844 = arith.constant 0 : i32
      %eq3A_845 = arith.cmpi eq, %jit3A_843, %eq3A_844 : i32
      %jit3A_846 = arith.constant 1 : i32
      %select_n3A_847 = arith.select %eq3A_845, %jit3A_846, %jit3A_843 : i32
      %rem3A_848 = arith.remsi %add3A_817, %select_n3A_847 : i32
      %ne3A_849 = arith.constant 0 : i32
      %ne3A_850 = arith.cmpi ne, %rem3A_848, %ne3A_849 : i32
      %lt3A_851 = arith.constant 0 : i32
      %lt3A_852 = arith.cmpi slt, %rem3A_848, %lt3A_851 : i32
      %lt3A_853 = arith.constant 0 : i32
      %lt3A_854 = arith.cmpi slt, %select_n3A_847, %lt3A_853 : i32
      %ne3A_855 = arith.xori %lt3A_852, %lt3A_854 : i1
      %and3A_856 = arith.andi %ne3A_855, %ne3A_850 : i1
      %add3A_857 = arith.addi %rem3A_848, %select_n3A_847 : i32
      %select_n3A_858 = arith.select %and3A_856, %add3A_857, %rem3A_848 : i32
      %dma_start3A_859 = arith.constant 0 : i32
      %dma_start3A_860 = arith.constant 0 : i32
      %dma_start3A_861 = arith.constant 0 : i32
      %dma_start3A_862 = tpu.memref_slice %arg6[%dma_start3A_859, %dma_start3A_860, %dma_start3A_861] : memref<8x128x64xf32, #tpu.memory_space<vmem>> -> memref<1x128x64xf32, #tpu.memory_space<vmem>>
      %dma_start3A_863 = tpu.memref_squeeze %dma_start3A_862 : memref<1x128x64xf32, #tpu.memory_space<vmem>> -> memref<128x64xf32, #tpu.memory_space<vmem>>
      %dma_start3A_864 = tpu.memref_slice %arg5[%sub3A_842, %select_n3A_858] : memref<3x16384xi32, #tpu.memory_space<vmem>> -> memref<1x128xi32, #tpu.memory_space<vmem>>
      %dma_start3A_865 = tpu.memref_squeeze %dma_start3A_864 : memref<1x128xi32, #tpu.memory_space<vmem>> -> memref<128xi32, #tpu.memory_space<vmem>>
      %dma_start3A_866 = arith.constant 0 : i32
      %dma_start3A_867 = arith.constant 0 : i32
      %dma_start3A_868 = tpu.memref_slice %arg2[%dma_start3A_866, %dma_start3A_867] : memref<1000000x64xf32, #tpu.memory_space<hbm>> -> memref<1000000x64xf32, #tpu.memory_space<hbm>>
      tpu.enqueue_indirect_dma source(%dma_start3A_868 : memref<1000000x64xf32, #tpu.memory_space<hbm>>) target(%dma_start3A_863 : memref<128x64xf32, #tpu.memory_space<vmem>>) offsets(%dma_start3A_865 : memref<128xi32, #tpu.memory_space<vmem>>) semaphore(%arg7 : memref<!tpu.dma_semaphore, #tpu.memory_space<semaphore_mem>>)
      %add3A_869 = arith.constant 1 : i32
      %add3A_870 = arith.addi %add3A_769, %add3A_869 : i32
      %dma_wait3A_871 = arith.constant 0 : i32
      %dma_wait3A_872 = arith.constant 5 : i32
      %dma_wait3A_873 = arith.constant 0 : i32
      %dma_wait3A_874 = arith.constant 0 : i32
      %dma_wait3A_875 = tpu.memref_slice %arg6[%dma_wait3A_872, %dma_wait3A_873, %dma_wait3A_874] : memref<8x128x64xf32, #tpu.memory_space<vmem>> -> memref<1x128x64xf32, #tpu.memory_space<vmem>>
      %dma_wait3A_876 = tpu.memref_squeeze %dma_wait3A_875 : memref<1x128x64xf32, #tpu.memory_space<vmem>> -> memref<128x64xf32, #tpu.memory_space<vmem>>
      %dma_wait3A_877 = arith.constant 0 : i32
      %dma_wait3A_878 = tpu.memref_slice %arg5[%dma_wait3A_871, %dma_wait3A_877] : memref<3x16384xi32, #tpu.memory_space<vmem>> -> memref<1x128xi32, #tpu.memory_space<vmem>>
      %dma_wait3A_879 = tpu.memref_squeeze %dma_wait3A_878 : memref<1x128xi32, #tpu.memory_space<vmem>> -> memref<128xi32, #tpu.memory_space<vmem>>
      %dma_wait3A_880 = arith.constant 0 : i32
      %dma_wait3A_881 = arith.constant 0 : i32
      %dma_wait3A_882 = tpu.memref_slice %arg2[%dma_wait3A_880, %dma_wait3A_881] : memref<1000000x64xf32, #tpu.memory_space<hbm>> -> memref<1000000x64xf32, #tpu.memory_space<hbm>>
      tpu.wait_indirect_dma semaphore(%arg12 : memref<!tpu.dma_semaphore, #tpu.memory_space<semaphore_mem>>) src(%dma_wait3A_882 : memref<1000000x64xf32, #tpu.memory_space<hbm>>) dst(%dma_wait3A_876 : memref<128x64xf32, #tpu.memory_space<vmem>>)
      %mul3A_883 = arith.constant 128 : i32
      %mul3A_884 = arith.muli %add3A_870, %mul3A_883 : i32
      %add3A_885 = arith.addi %mul3A_2, %mul3A_884 : i32
      %dma_start3A_886 = arith.constant 5 : i32
      %dma_start3A_887 = arith.constant 0 : i32
      %dma_start3A_888 = arith.constant 0 : i32
      %dma_start3A_889 = tpu.memref_slice %arg6[%dma_start3A_886, %dma_start3A_887, %dma_start3A_888] : memref<8x128x64xf32, #tpu.memory_space<vmem>> -> memref<1x128x64xf32, #tpu.memory_space<vmem>>
      %dma_start3A_890 = tpu.memref_squeeze %dma_start3A_889 : memref<1x128x64xf32, #tpu.memory_space<vmem>> -> memref<128x64xf32, #tpu.memory_space<vmem>>
      %dma_start3A_891 = arith.constant 0 : i32
      %dma_start3A_892 = tpu.memref_slice %arg4[%add3A_885, %dma_start3A_891] : memref<819200x64xf32, #tpu.memory_space<hbm>> -> memref<128x64xf32, #tpu.memory_space<hbm>>
      %dma_start3A_893 = arith.constant 0 : i32
      %dma_start3A_894 = tpu.memref_slice %arg4[%add3A_885, %dma_start3A_893] : memref<819200x64xf32, #tpu.memory_space<hbm>> -> memref<128x64xf32, #tpu.memory_space<hbm>>
      %dma_start3A_895 = arith.constant 0 : i32
      %dma_start3A_896 = arith.constant 0 : i32
      %dma_start3A_897 = tpu.memref_slice %arg6[%dma_start3A_886, %dma_start3A_895, %dma_start3A_896] : memref<8x128x64xf32, #tpu.memory_space<vmem>> -> memref<1x128x64xf32, #tpu.memory_space<vmem>>
      %dma_start3A_898 = tpu.memref_squeeze %dma_start3A_897 : memref<1x128x64xf32, #tpu.memory_space<vmem>> -> memref<128x64xf32, #tpu.memory_space<vmem>>
      tpu.enqueue_dma source(%dma_start3A_898 : memref<128x64xf32, #tpu.memory_space<vmem>>) target(%dma_start3A_894 : memref<128x64xf32, #tpu.memory_space<hbm>>) target_semaphore(%arg12 : memref<!tpu.dma_semaphore, #tpu.memory_space<semaphore_mem>>)
      %dma_wait3A_899 = arith.constant 1 : i32
      %dma_wait3A_900 = arith.constant 0 : i32
      %dma_wait3A_901 = arith.constant 0 : i32
      %dma_wait3A_902 = tpu.memref_slice %arg6[%dma_wait3A_899, %dma_wait3A_900, %dma_wait3A_901] : memref<8x128x64xf32, #tpu.memory_space<vmem>> -> memref<1x128x64xf32, #tpu.memory_space<vmem>>
      %dma_wait3A_903 = tpu.memref_squeeze %dma_wait3A_902 : memref<1x128x64xf32, #tpu.memory_space<vmem>> -> memref<128x64xf32, #tpu.memory_space<vmem>>
      %dma_wait3A_904 = arith.constant 0 : i32
      %dma_wait3A_905 = tpu.memref_slice %arg4[%mul3A_2, %dma_wait3A_904] : memref<819200x64xf32, #tpu.memory_space<hbm>> -> memref<128x64xf32, #tpu.memory_space<hbm>>
      %dma_wait3A_906 = arith.constant 0 : i32
      %dma_wait3A_907 = tpu.memref_slice %arg4[%mul3A_2, %dma_wait3A_906] : memref<819200x64xf32, #tpu.memory_space<hbm>> -> memref<128x64xf32, #tpu.memory_space<hbm>>
      %dma_wait3A_908 = arith.constant 0 : i32
      %dma_wait3A_909 = arith.constant 0 : i32
      %dma_wait3A_910 = tpu.memref_slice %arg6[%dma_wait3A_899, %dma_wait3A_908, %dma_wait3A_909] : memref<8x128x64xf32, #tpu.memory_space<vmem>> -> memref<1x128x64xf32, #tpu.memory_space<vmem>>
      %dma_wait3A_911 = tpu.memref_squeeze %dma_wait3A_910 : memref<1x128x64xf32, #tpu.memory_space<vmem>> -> memref<128x64xf32, #tpu.memory_space<vmem>>
      tpu.wait_dma2 semaphore(%arg8 : memref<!tpu.dma_semaphore, #tpu.memory_space<semaphore_mem>>) src(%dma_wait3A_911 : memref<128x64xf32, #tpu.memory_space<vmem>>) dst(%dma_wait3A_907 : memref<128x64xf32, #tpu.memory_space<hbm>>)
      %add3A_912 = arith.constant 4 : i32
      %add3A_913 = arith.addi %add3A_870, %add3A_912 : i32
      %mul3A_914 = arith.constant 128 : i32
      %mul3A_915 = arith.muli %add3A_913, %mul3A_914 : i32
      %add3A_916 = arith.addi %mul3A_2, %mul3A_915 : i32
      %jit3A_917 = arith.constant 16384 : i32
      %div3A_918 = arith.divsi %add3A_916, %jit3A_917 : i32
      %sign3A_919 = arith.constant 0 : i32
      %sign3A_920 = arith.cmpi sgt, %add3A_916, %sign3A_919 : i32
      %sign3A_921 = arith.extui %sign3A_920 : i1 to i32
      %sign3A_922 = arith.constant 0 : i32
      %sign3A_923 = arith.cmpi slt, %add3A_916, %sign3A_922 : i32
      %sign3A_924 = arith.extui %sign3A_923 : i1 to i32
      %sign3A_925 = arith.subi %sign3A_921, %sign3A_924 : i32
      %sign3A_926 = arith.constant 0 : i32
      %sign3A_927 = arith.cmpi sgt, %jit3A_917, %sign3A_926 : i32
      %sign3A_928 = arith.extui %sign3A_927 : i1 to i32
      %sign3A_929 = arith.constant 0 : i32
      %sign3A_930 = arith.cmpi slt, %jit3A_917, %sign3A_929 : i32
      %sign3A_931 = arith.extui %sign3A_930 : i1 to i32
      %sign3A_932 = arith.subi %sign3A_928, %sign3A_931 : i32
      %ne3A_933 = arith.cmpi ne, %sign3A_925, %sign3A_932 : i32
      %rem3A_934 = arith.remsi %add3A_916, %jit3A_917 : i32
      %ne3A_935 = arith.constant 0 : i32
      %ne3A_936 = arith.cmpi ne, %rem3A_934, %ne3A_935 : i32
      %and3A_937 = arith.andi %ne3A_933, %ne3A_936 : i1
      %sub3A_938 = arith.constant 1 : i32
      %sub3A_939 = arith.subi %div3A_918, %sub3A_938 : i32
      %select_n3A_940 = arith.select %and3A_937, %sub3A_939, %div3A_918 : i32
      %sub3A_941 = arith.subi %select_n3A_940, %min3A_19 : i32
      %jit3A_942 = arith.constant 16384 : i32
      %eq3A_943 = arith.constant 0 : i32
      %eq3A_944 = arith.cmpi eq, %jit3A_942, %eq3A_943 : i32
      %jit3A_945 = arith.constant 1 : i32
      %select_n3A_946 = arith.select %eq3A_944, %jit3A_945, %jit3A_942 : i32
      %rem3A_947 = arith.remsi %add3A_916, %select_n3A_946 : i32
      %ne3A_948 = arith.constant 0 : i32
      %ne3A_949 = arith.cmpi ne, %rem3A_947, %ne3A_948 : i32
      %lt3A_950 = arith.constant 0 : i32
      %lt3A_951 = arith.cmpi slt, %rem3A_947, %lt3A_950 : i32
      %lt3A_952 = arith.constant 0 : i32
      %lt3A_953 = arith.cmpi slt, %select_n3A_946, %lt3A_952 : i32
      %ne3A_954 = arith.xori %lt3A_951, %lt3A_953 : i1
      %and3A_955 = arith.andi %ne3A_954, %ne3A_949 : i1
      %add3A_956 = arith.addi %rem3A_947, %select_n3A_946 : i32
      %select_n3A_957 = arith.select %and3A_955, %add3A_956, %rem3A_947 : i32
      %dma_start3A_958 = arith.constant 1 : i32
      %dma_start3A_959 = arith.constant 0 : i32
      %dma_start3A_960 = arith.constant 0 : i32
      %dma_start3A_961 = tpu.memref_slice %arg6[%dma_start3A_958, %dma_start3A_959, %dma_start3A_960] : memref<8x128x64xf32, #tpu.memory_space<vmem>> -> memref<1x128x64xf32, #tpu.memory_space<vmem>>
      %dma_start3A_962 = tpu.memref_squeeze %dma_start3A_961 : memref<1x128x64xf32, #tpu.memory_space<vmem>> -> memref<128x64xf32, #tpu.memory_space<vmem>>
      %dma_start3A_963 = tpu.memref_slice %arg5[%sub3A_941, %select_n3A_957] : memref<3x16384xi32, #tpu.memory_space<vmem>> -> memref<1x128xi32, #tpu.memory_space<vmem>>
      %dma_start3A_964 = tpu.memref_squeeze %dma_start3A_963 : memref<1x128xi32, #tpu.memory_space<vmem>> -> memref<128xi32, #tpu.memory_space<vmem>>
      %dma_start3A_965 = arith.constant 0 : i32
      %dma_start3A_966 = arith.constant 0 : i32
      %dma_start3A_967 = tpu.memref_slice %arg2[%dma_start3A_965, %dma_start3A_966] : memref<1000000x64xf32, #tpu.memory_space<hbm>> -> memref<1000000x64xf32, #tpu.memory_space<hbm>>
      tpu.enqueue_indirect_dma source(%dma_start3A_967 : memref<1000000x64xf32, #tpu.memory_space<hbm>>) target(%dma_start3A_962 : memref<128x64xf32, #tpu.memory_space<vmem>>) offsets(%dma_start3A_964 : memref<128xi32, #tpu.memory_space<vmem>>) semaphore(%arg8 : memref<!tpu.dma_semaphore, #tpu.memory_space<semaphore_mem>>)
      %add3A_968 = arith.constant 2 : i32
      %add3A_969 = arith.addi %add3A_769, %add3A_968 : i32
      %dma_wait3A_970 = arith.constant 0 : i32
      %dma_wait3A_971 = arith.constant 6 : i32
      %dma_wait3A_972 = arith.constant 0 : i32
      %dma_wait3A_973 = arith.constant 0 : i32
      %dma_wait3A_974 = tpu.memref_slice %arg6[%dma_wait3A_971, %dma_wait3A_972, %dma_wait3A_973] : memref<8x128x64xf32, #tpu.memory_space<vmem>> -> memref<1x128x64xf32, #tpu.memory_space<vmem>>
      %dma_wait3A_975 = tpu.memref_squeeze %dma_wait3A_974 : memref<1x128x64xf32, #tpu.memory_space<vmem>> -> memref<128x64xf32, #tpu.memory_space<vmem>>
      %dma_wait3A_976 = arith.constant 0 : i32
      %dma_wait3A_977 = tpu.memref_slice %arg5[%dma_wait3A_970, %dma_wait3A_976] : memref<3x16384xi32, #tpu.memory_space<vmem>> -> memref<1x128xi32, #tpu.memory_space<vmem>>
      %dma_wait3A_978 = tpu.memref_squeeze %dma_wait3A_977 : memref<1x128xi32, #tpu.memory_space<vmem>> -> memref<128xi32, #tpu.memory_space<vmem>>
      %dma_wait3A_979 = arith.constant 0 : i32
      %dma_wait3A_980 = arith.constant 0 : i32
      %dma_wait3A_981 = tpu.memref_slice %arg2[%dma_wait3A_979, %dma_wait3A_980] : memref<1000000x64xf32, #tpu.memory_space<hbm>> -> memref<1000000x64xf32, #tpu.memory_space<hbm>>
      tpu.wait_indirect_dma semaphore(%arg13 : memref<!tpu.dma_semaphore, #tpu.memory_space<semaphore_mem>>) src(%dma_wait3A_981 : memref<1000000x64xf32, #tpu.memory_space<hbm>>) dst(%dma_wait3A_975 : memref<128x64xf32, #tpu.memory_space<vmem>>)
      %mul3A_982 = arith.constant 128 : i32
      %mul3A_983 = arith.muli %add3A_969, %mul3A_982 : i32
      %add3A_984 = arith.addi %mul3A_2, %mul3A_983 : i32
      %dma_start3A_985 = arith.constant 6 : i32
      %dma_start3A_986 = arith.constant 0 : i32
      %dma_start3A_987 = arith.constant 0 : i32
      %dma_start3A_988 = tpu.memref_slice %arg6[%dma_start3A_985, %dma_start3A_986, %dma_start3A_987] : memref<8x128x64xf32, #tpu.memory_space<vmem>> -> memref<1x128x64xf32, #tpu.memory_space<vmem>>
      %dma_start3A_989 = tpu.memref_squeeze %dma_start3A_988 : memref<1x128x64xf32, #tpu.memory_space<vmem>> -> memref<128x64xf32, #tpu.memory_space<vmem>>
      %dma_start3A_990 = arith.constant 0 : i32
      %dma_start3A_991 = tpu.memref_slice %arg4[%add3A_984, %dma_start3A_990] : memref<819200x64xf32, #tpu.memory_space<hbm>> -> memref<128x64xf32, #tpu.memory_space<hbm>>
      %dma_start3A_992 = arith.constant 0 : i32
      %dma_start3A_993 = tpu.memref_slice %arg4[%add3A_984, %dma_start3A_992] : memref<819200x64xf32, #tpu.memory_space<hbm>> -> memref<128x64xf32, #tpu.memory_space<hbm>>
      %dma_start3A_994 = arith.constant 0 : i32
      %dma_start3A_995 = arith.constant 0 : i32
      %dma_start3A_996 = tpu.memref_slice %arg6[%dma_start3A_985, %dma_start3A_994, %dma_start3A_995] : memref<8x128x64xf32, #tpu.memory_space<vmem>> -> memref<1x128x64xf32, #tpu.memory_space<vmem>>
      %dma_start3A_997 = tpu.memref_squeeze %dma_start3A_996 : memref<1x128x64xf32, #tpu.memory_space<vmem>> -> memref<128x64xf32, #tpu.memory_space<vmem>>
      tpu.enqueue_dma source(%dma_start3A_997 : memref<128x64xf32, #tpu.memory_space<vmem>>) target(%dma_start3A_993 : memref<128x64xf32, #tpu.memory_space<hbm>>) target_semaphore(%arg13 : memref<!tpu.dma_semaphore, #tpu.memory_space<semaphore_mem>>)
      %dma_wait3A_998 = arith.constant 2 : i32
      %dma_wait3A_999 = arith.constant 0 : i32
      %dma_wait3A_1000 = arith.constant 0 : i32
      %dma_wait3A_1001 = tpu.memref_slice %arg6[%dma_wait3A_998, %dma_wait3A_999, %dma_wait3A_1000] : memref<8x128x64xf32, #tpu.memory_space<vmem>> -> memref<1x128x64xf32, #tpu.memory_space<vmem>>
      %dma_wait3A_1002 = tpu.memref_squeeze %dma_wait3A_1001 : memref<1x128x64xf32, #tpu.memory_space<vmem>> -> memref<128x64xf32, #tpu.memory_space<vmem>>
      %dma_wait3A_1003 = arith.constant 0 : i32
      %dma_wait3A_1004 = tpu.memref_slice %arg4[%mul3A_2, %dma_wait3A_1003] : memref<819200x64xf32, #tpu.memory_space<hbm>> -> memref<128x64xf32, #tpu.memory_space<hbm>>
      %dma_wait3A_1005 = arith.constant 0 : i32
      %dma_wait3A_1006 = tpu.memref_slice %arg4[%mul3A_2, %dma_wait3A_1005] : memref<819200x64xf32, #tpu.memory_space<hbm>> -> memref<128x64xf32, #tpu.memory_space<hbm>>
      %dma_wait3A_1007 = arith.constant 0 : i32
      %dma_wait3A_1008 = arith.constant 0 : i32
      %dma_wait3A_1009 = tpu.memref_slice %arg6[%dma_wait3A_998, %dma_wait3A_1007, %dma_wait3A_1008] : memref<8x128x64xf32, #tpu.memory_space<vmem>> -> memref<1x128x64xf32, #tpu.memory_space<vmem>>
      %dma_wait3A_1010 = tpu.memref_squeeze %dma_wait3A_1009 : memref<1x128x64xf32, #tpu.memory_space<vmem>> -> memref<128x64xf32, #tpu.memory_space<vmem>>
      tpu.wait_dma2 semaphore(%arg9 : memref<!tpu.dma_semaphore, #tpu.memory_space<semaphore_mem>>) src(%dma_wait3A_1010 : memref<128x64xf32, #tpu.memory_space<vmem>>) dst(%dma_wait3A_1006 : memref<128x64xf32, #tpu.memory_space<hbm>>)
      %add3A_1011 = arith.constant 4 : i32
      %add3A_1012 = arith.addi %add3A_969, %add3A_1011 : i32
      %mul3A_1013 = arith.constant 128 : i32
      %mul3A_1014 = arith.muli %add3A_1012, %mul3A_1013 : i32
      %add3A_1015 = arith.addi %mul3A_2, %mul3A_1014 : i32
      %jit3A_1016 = arith.constant 16384 : i32
      %div3A_1017 = arith.divsi %add3A_1015, %jit3A_1016 : i32
      %sign3A_1018 = arith.constant 0 : i32
      %sign3A_1019 = arith.cmpi sgt, %add3A_1015, %sign3A_1018 : i32
      %sign3A_1020 = arith.extui %sign3A_1019 : i1 to i32
      %sign3A_1021 = arith.constant 0 : i32
      %sign3A_1022 = arith.cmpi slt, %add3A_1015, %sign3A_1021 : i32
      %sign3A_1023 = arith.extui %sign3A_1022 : i1 to i32
      %sign3A_1024 = arith.subi %sign3A_1020, %sign3A_1023 : i32
      %sign3A_1025 = arith.constant 0 : i32
      %sign3A_1026 = arith.cmpi sgt, %jit3A_1016, %sign3A_1025 : i32
      %sign3A_1027 = arith.extui %sign3A_1026 : i1 to i32
      %sign3A_1028 = arith.constant 0 : i32
      %sign3A_1029 = arith.cmpi slt, %jit3A_1016, %sign3A_1028 : i32
      %sign3A_1030 = arith.extui %sign3A_1029 : i1 to i32
      %sign3A_1031 = arith.subi %sign3A_1027, %sign3A_1030 : i32
      %ne3A_1032 = arith.cmpi ne, %sign3A_1024, %sign3A_1031 : i32
      %rem3A_1033 = arith.remsi %add3A_1015, %jit3A_1016 : i32
      %ne3A_1034 = arith.constant 0 : i32
      %ne3A_1035 = arith.cmpi ne, %rem3A_1033, %ne3A_1034 : i32
      %and3A_1036 = arith.andi %ne3A_1032, %ne3A_1035 : i1
      %sub3A_1037 = arith.constant 1 : i32
      %sub3A_1038 = arith.subi %div3A_1017, %sub3A_1037 : i32
      %select_n3A_1039 = arith.select %and3A_1036, %sub3A_1038, %div3A_1017 : i32
      %sub3A_1040 = arith.subi %select_n3A_1039, %min3A_19 : i32
      %jit3A_1041 = arith.constant 16384 : i32
      %eq3A_1042 = arith.constant 0 : i32
      %eq3A_1043 = arith.cmpi eq, %jit3A_1041, %eq3A_1042 : i32
      %jit3A_1044 = arith.constant 1 : i32
      %select_n3A_1045 = arith.select %eq3A_1043, %jit3A_1044, %jit3A_1041 : i32
      %rem3A_1046 = arith.remsi %add3A_1015, %select_n3A_1045 : i32
      %ne3A_1047 = arith.constant 0 : i32
      %ne3A_1048 = arith.cmpi ne, %rem3A_1046, %ne3A_1047 : i32
      %lt3A_1049 = arith.constant 0 : i32
      %lt3A_1050 = arith.cmpi slt, %rem3A_1046, %lt3A_1049 : i32
      %lt3A_1051 = arith.constant 0 : i32
      %lt3A_1052 = arith.cmpi slt, %select_n3A_1045, %lt3A_1051 : i32
      %ne3A_1053 = arith.xori %lt3A_1050, %lt3A_1052 : i1
      %and3A_1054 = arith.andi %ne3A_1053, %ne3A_1048 : i1
      %add3A_1055 = arith.addi %rem3A_1046, %select_n3A_1045 : i32
      %select_n3A_1056 = arith.select %and3A_1054, %add3A_1055, %rem3A_1046 : i32
      %dma_start3A_1057 = arith.constant 2 : i32
      %dma_start3A_1058 = arith.constant 0 : i32
      %dma_start3A_1059 = arith.constant 0 : i32
      %dma_start3A_1060 = tpu.memref_slice %arg6[%dma_start3A_1057, %dma_start3A_1058, %dma_start3A_1059] : memref<8x128x64xf32, #tpu.memory_space<vmem>> -> memref<1x128x64xf32, #tpu.memory_space<vmem>>
      %dma_start3A_1061 = tpu.memref_squeeze %dma_start3A_1060 : memref<1x128x64xf32, #tpu.memory_space<vmem>> -> memref<128x64xf32, #tpu.memory_space<vmem>>
      %dma_start3A_1062 = tpu.memref_slice %arg5[%sub3A_1040, %select_n3A_1056] : memref<3x16384xi32, #tpu.memory_space<vmem>> -> memref<1x128xi32, #tpu.memory_space<vmem>>
      %dma_start3A_1063 = tpu.memref_squeeze %dma_start3A_1062 : memref<1x128xi32, #tpu.memory_space<vmem>> -> memref<128xi32, #tpu.memory_space<vmem>>
      %dma_start3A_1064 = arith.constant 0 : i32
      %dma_start3A_1065 = arith.constant 0 : i32
      %dma_start3A_1066 = tpu.memref_slice %arg2[%dma_start3A_1064, %dma_start3A_1065] : memref<1000000x64xf32, #tpu.memory_space<hbm>> -> memref<1000000x64xf32, #tpu.memory_space<hbm>>
      tpu.enqueue_indirect_dma source(%dma_start3A_1066 : memref<1000000x64xf32, #tpu.memory_space<hbm>>) target(%dma_start3A_1061 : memref<128x64xf32, #tpu.memory_space<vmem>>) offsets(%dma_start3A_1063 : memref<128xi32, #tpu.memory_space<vmem>>) semaphore(%arg9 : memref<!tpu.dma_semaphore, #tpu.memory_space<semaphore_mem>>)
      %add3A_1067 = arith.constant 3 : i32
      %add3A_1068 = arith.addi %add3A_769, %add3A_1067 : i32
      %dma_wait3A_1069 = arith.constant 0 : i32
      %dma_wait3A_1070 = arith.constant 7 : i32
      %dma_wait3A_1071 = arith.constant 0 : i32
      %dma_wait3A_1072 = arith.constant 0 : i32
      %dma_wait3A_1073 = tpu.memref_slice %arg6[%dma_wait3A_1070, %dma_wait3A_1071, %dma_wait3A_1072] : memref<8x128x64xf32, #tpu.memory_space<vmem>> -> memref<1x128x64xf32, #tpu.memory_space<vmem>>
      %dma_wait3A_1074 = tpu.memref_squeeze %dma_wait3A_1073 : memref<1x128x64xf32, #tpu.memory_space<vmem>> -> memref<128x64xf32, #tpu.memory_space<vmem>>
      %dma_wait3A_1075 = arith.constant 0 : i32
      %dma_wait3A_1076 = tpu.memref_slice %arg5[%dma_wait3A_1069, %dma_wait3A_1075] : memref<3x16384xi32, #tpu.memory_space<vmem>> -> memref<1x128xi32, #tpu.memory_space<vmem>>
      %dma_wait3A_1077 = tpu.memref_squeeze %dma_wait3A_1076 : memref<1x128xi32, #tpu.memory_space<vmem>> -> memref<128xi32, #tpu.memory_space<vmem>>
      %dma_wait3A_1078 = arith.constant 0 : i32
      %dma_wait3A_1079 = arith.constant 0 : i32
      %dma_wait3A_1080 = tpu.memref_slice %arg2[%dma_wait3A_1078, %dma_wait3A_1079] : memref<1000000x64xf32, #tpu.memory_space<hbm>> -> memref<1000000x64xf32, #tpu.memory_space<hbm>>
      tpu.wait_indirect_dma semaphore(%arg14 : memref<!tpu.dma_semaphore, #tpu.memory_space<semaphore_mem>>) src(%dma_wait3A_1080 : memref<1000000x64xf32, #tpu.memory_space<hbm>>) dst(%dma_wait3A_1074 : memref<128x64xf32, #tpu.memory_space<vmem>>)
      %mul3A_1081 = arith.constant 128 : i32
      %mul3A_1082 = arith.muli %add3A_1068, %mul3A_1081 : i32
      %add3A_1083 = arith.addi %mul3A_2, %mul3A_1082 : i32
      %dma_start3A_1084 = arith.constant 7 : i32
      %dma_start3A_1085 = arith.constant 0 : i32
      %dma_start3A_1086 = arith.constant 0 : i32
      %dma_start3A_1087 = tpu.memref_slice %arg6[%dma_start3A_1084, %dma_start3A_1085, %dma_start3A_1086] : memref<8x128x64xf32, #tpu.memory_space<vmem>> -> memref<1x128x64xf32, #tpu.memory_space<vmem>>
      %dma_start3A_1088 = tpu.memref_squeeze %dma_start3A_1087 : memref<1x128x64xf32, #tpu.memory_space<vmem>> -> memref<128x64xf32, #tpu.memory_space<vmem>>
      %dma_start3A_1089 = arith.constant 0 : i32
      %dma_start3A_1090 = tpu.memref_slice %arg4[%add3A_1083, %dma_start3A_1089] : memref<819200x64xf32, #tpu.memory_space<hbm>> -> memref<128x64xf32, #tpu.memory_space<hbm>>
      %dma_start3A_1091 = arith.constant 0 : i32
      %dma_start3A_1092 = tpu.memref_slice %arg4[%add3A_1083, %dma_start3A_1091] : memref<819200x64xf32, #tpu.memory_space<hbm>> -> memref<128x64xf32, #tpu.memory_space<hbm>>
      %dma_start3A_1093 = arith.constant 0 : i32
      %dma_start3A_1094 = arith.constant 0 : i32
      %dma_start3A_1095 = tpu.memref_slice %arg6[%dma_start3A_1084, %dma_start3A_1093, %dma_start3A_1094] : memref<8x128x64xf32, #tpu.memory_space<vmem>> -> memref<1x128x64xf32, #tpu.memory_space<vmem>>
      %dma_start3A_1096 = tpu.memref_squeeze %dma_start3A_1095 : memref<1x128x64xf32, #tpu.memory_space<vmem>> -> memref<128x64xf32, #tpu.memory_space<vmem>>
      tpu.enqueue_dma source(%dma_start3A_1096 : memref<128x64xf32, #tpu.memory_space<vmem>>) target(%dma_start3A_1092 : memref<128x64xf32, #tpu.memory_space<hbm>>) target_semaphore(%arg14 : memref<!tpu.dma_semaphore, #tpu.memory_space<semaphore_mem>>)
      %dma_wait3A_1097 = arith.constant 3 : i32
      %dma_wait3A_1098 = arith.constant 0 : i32
      %dma_wait3A_1099 = arith.constant 0 : i32
      %dma_wait3A_1100 = tpu.memref_slice %arg6[%dma_wait3A_1097, %dma_wait3A_1098, %dma_wait3A_1099] : memref<8x128x64xf32, #tpu.memory_space<vmem>> -> memref<1x128x64xf32, #tpu.memory_space<vmem>>
      %dma_wait3A_1101 = tpu.memref_squeeze %dma_wait3A_1100 : memref<1x128x64xf32, #tpu.memory_space<vmem>> -> memref<128x64xf32, #tpu.memory_space<vmem>>
      %dma_wait3A_1102 = arith.constant 0 : i32
      %dma_wait3A_1103 = tpu.memref_slice %arg4[%mul3A_2, %dma_wait3A_1102] : memref<819200x64xf32, #tpu.memory_space<hbm>> -> memref<128x64xf32, #tpu.memory_space<hbm>>
      %dma_wait3A_1104 = arith.constant 0 : i32
      %dma_wait3A_1105 = tpu.memref_slice %arg4[%mul3A_2, %dma_wait3A_1104] : memref<819200x64xf32, #tpu.memory_space<hbm>> -> memref<128x64xf32, #tpu.memory_space<hbm>>
      %dma_wait3A_1106 = arith.constant 0 : i32
      %dma_wait3A_1107 = arith.constant 0 : i32
      %dma_wait3A_1108 = tpu.memref_slice %arg6[%dma_wait3A_1097, %dma_wait3A_1106, %dma_wait3A_1107] : memref<8x128x64xf32, #tpu.memory_space<vmem>> -> memref<1x128x64xf32, #tpu.memory_space<vmem>>
      %dma_wait3A_1109 = tpu.memref_squeeze %dma_wait3A_1108 : memref<1x128x64xf32, #tpu.memory_space<vmem>> -> memref<128x64xf32, #tpu.memory_space<vmem>>
      tpu.wait_dma2 semaphore(%arg10 : memref<!tpu.dma_semaphore, #tpu.memory_space<semaphore_mem>>) src(%dma_wait3A_1109 : memref<128x64xf32, #tpu.memory_space<vmem>>) dst(%dma_wait3A_1105 : memref<128x64xf32, #tpu.memory_space<hbm>>)
      %add3A_1110 = arith.constant 4 : i32
      %add3A_1111 = arith.addi %add3A_1068, %add3A_1110 : i32
      %mul3A_1112 = arith.constant 128 : i32
      %mul3A_1113 = arith.muli %add3A_1111, %mul3A_1112 : i32
      %add3A_1114 = arith.addi %mul3A_2, %mul3A_1113 : i32
      %jit3A_1115 = arith.constant 16384 : i32
      %div3A_1116 = arith.divsi %add3A_1114, %jit3A_1115 : i32
      %sign3A_1117 = arith.constant 0 : i32
      %sign3A_1118 = arith.cmpi sgt, %add3A_1114, %sign3A_1117 : i32
      %sign3A_1119 = arith.extui %sign3A_1118 : i1 to i32
      %sign3A_1120 = arith.constant 0 : i32
      %sign3A_1121 = arith.cmpi slt, %add3A_1114, %sign3A_1120 : i32
      %sign3A_1122 = arith.extui %sign3A_1121 : i1 to i32
      %sign3A_1123 = arith.subi %sign3A_1119, %sign3A_1122 : i32
      %sign3A_1124 = arith.constant 0 : i32
      %sign3A_1125 = arith.cmpi sgt, %jit3A_1115, %sign3A_1124 : i32
      %sign3A_1126 = arith.extui %sign3A_1125 : i1 to i32
      %sign3A_1127 = arith.constant 0 : i32
      %sign3A_1128 = arith.cmpi slt, %jit3A_1115, %sign3A_1127 : i32
      %sign3A_1129 = arith.extui %sign3A_1128 : i1 to i32
      %sign3A_1130 = arith.subi %sign3A_1126, %sign3A_1129 : i32
      %ne3A_1131 = arith.cmpi ne, %sign3A_1123, %sign3A_1130 : i32
      %rem3A_1132 = arith.remsi %add3A_1114, %jit3A_1115 : i32
      %ne3A_1133 = arith.constant 0 : i32
      %ne3A_1134 = arith.cmpi ne, %rem3A_1132, %ne3A_1133 : i32
      %and3A_1135 = arith.andi %ne3A_1131, %ne3A_1134 : i1
      %sub3A_1136 = arith.constant 1 : i32
      %sub3A_1137 = arith.subi %div3A_1116, %sub3A_1136 : i32
      %select_n3A_1138 = arith.select %and3A_1135, %sub3A_1137, %div3A_1116 : i32
      %sub3A_1139 = arith.subi %select_n3A_1138, %min3A_19 : i32
      %jit3A_1140 = arith.constant 16384 : i32
      %eq3A_1141 = arith.constant 0 : i32
      %eq3A_1142 = arith.cmpi eq, %jit3A_1140, %eq3A_1141 : i32
      %jit3A_1143 = arith.constant 1 : i32
      %select_n3A_1144 = arith.select %eq3A_1142, %jit3A_1143, %jit3A_1140 : i32
      %rem3A_1145 = arith.remsi %add3A_1114, %select_n3A_1144 : i32
      %ne3A_1146 = arith.constant 0 : i32
      %ne3A_1147 = arith.cmpi ne, %rem3A_1145, %ne3A_1146 : i32
      %lt3A_1148 = arith.constant 0 : i32
      %lt3A_1149 = arith.cmpi slt, %rem3A_1145, %lt3A_1148 : i32
      %lt3A_1150 = arith.constant 0 : i32
      %lt3A_1151 = arith.cmpi slt, %select_n3A_1144, %lt3A_1150 : i32
      %ne3A_1152 = arith.xori %lt3A_1149, %lt3A_1151 : i1
      %and3A_1153 = arith.andi %ne3A_1152, %ne3A_1147 : i1
      %add3A_1154 = arith.addi %rem3A_1145, %select_n3A_1144 : i32
      %select_n3A_1155 = arith.select %and3A_1153, %add3A_1154, %rem3A_1145 : i32
      %dma_start3A_1156 = arith.constant 3 : i32
      %dma_start3A_1157 = arith.constant 0 : i32
      %dma_start3A_1158 = arith.constant 0 : i32
      %dma_start3A_1159 = tpu.memref_slice %arg6[%dma_start3A_1156, %dma_start3A_1157, %dma_start3A_1158] : memref<8x128x64xf32, #tpu.memory_space<vmem>> -> memref<1x128x64xf32, #tpu.memory_space<vmem>>
      %dma_start3A_1160 = tpu.memref_squeeze %dma_start3A_1159 : memref<1x128x64xf32, #tpu.memory_space<vmem>> -> memref<128x64xf32, #tpu.memory_space<vmem>>
      %dma_start3A_1161 = tpu.memref_slice %arg5[%sub3A_1139, %select_n3A_1155] : memref<3x16384xi32, #tpu.memory_space<vmem>> -> memref<1x128xi32, #tpu.memory_space<vmem>>
      %dma_start3A_1162 = tpu.memref_squeeze %dma_start3A_1161 : memref<1x128xi32, #tpu.memory_space<vmem>> -> memref<128xi32, #tpu.memory_space<vmem>>
      %dma_start3A_1163 = arith.constant 0 : i32
      %dma_start3A_1164 = arith.constant 0 : i32
      %dma_start3A_1165 = tpu.memref_slice %arg2[%dma_start3A_1163, %dma_start3A_1164] : memref<1000000x64xf32, #tpu.memory_space<hbm>> -> memref<1000000x64xf32, #tpu.memory_space<hbm>>
      tpu.enqueue_indirect_dma source(%dma_start3A_1165 : memref<1000000x64xf32, #tpu.memory_space<hbm>>) target(%dma_start3A_1160 : memref<128x64xf32, #tpu.memory_space<vmem>>) offsets(%dma_start3A_1162 : memref<128xi32, #tpu.memory_space<vmem>>) semaphore(%arg10 : memref<!tpu.dma_semaphore, #tpu.memory_space<semaphore_mem>>)
      %add3A_1166 = arith.constant 4 : i32
      %add3A_1167 = arith.addi %add3A_769, %add3A_1166 : i32
      %dma_wait3A_1168 = arith.constant 0 : i32
      %dma_wait3A_1169 = arith.constant 0 : i32
      %dma_wait3A_1170 = arith.constant 0 : i32
      %dma_wait3A_1171 = arith.constant 0 : i32
      %dma_wait3A_1172 = tpu.memref_slice %arg6[%dma_wait3A_1169, %dma_wait3A_1170, %dma_wait3A_1171] : memref<8x128x64xf32, #tpu.memory_space<vmem>> -> memref<1x128x64xf32, #tpu.memory_space<vmem>>
      %dma_wait3A_1173 = tpu.memref_squeeze %dma_wait3A_1172 : memref<1x128x64xf32, #tpu.memory_space<vmem>> -> memref<128x64xf32, #tpu.memory_space<vmem>>
      %dma_wait3A_1174 = arith.constant 0 : i32
      %dma_wait3A_1175 = tpu.memref_slice %arg5[%dma_wait3A_1168, %dma_wait3A_1174] : memref<3x16384xi32, #tpu.memory_space<vmem>> -> memref<1x128xi32, #tpu.memory_space<vmem>>
      %dma_wait3A_1176 = tpu.memref_squeeze %dma_wait3A_1175 : memref<1x128xi32, #tpu.memory_space<vmem>> -> memref<128xi32, #tpu.memory_space<vmem>>
      %dma_wait3A_1177 = arith.constant 0 : i32
      %dma_wait3A_1178 = arith.constant 0 : i32
      %dma_wait3A_1179 = tpu.memref_slice %arg2[%dma_wait3A_1177, %dma_wait3A_1178] : memref<1000000x64xf32, #tpu.memory_space<hbm>> -> memref<1000000x64xf32, #tpu.memory_space<hbm>>
      tpu.wait_indirect_dma semaphore(%arg7 : memref<!tpu.dma_semaphore, #tpu.memory_space<semaphore_mem>>) src(%dma_wait3A_1179 : memref<1000000x64xf32, #tpu.memory_space<hbm>>) dst(%dma_wait3A_1173 : memref<128x64xf32, #tpu.memory_space<vmem>>)
      %mul3A_1180 = arith.constant 128 : i32
      %mul3A_1181 = arith.muli %add3A_1167, %mul3A_1180 : i32
      %add3A_1182 = arith.addi %mul3A_2, %mul3A_1181 : i32
      %dma_start3A_1183 = arith.constant 0 : i32
      %dma_start3A_1184 = arith.constant 0 : i32
      %dma_start3A_1185 = arith.constant 0 : i32
      %dma_start3A_1186 = tpu.memref_slice %arg6[%dma_start3A_1183, %dma_start3A_1184, %dma_start3A_1185] : memref<8x128x64xf32, #tpu.memory_space<vmem>> -> memref<1x128x64xf32, #tpu.memory_space<vmem>>
      %dma_start3A_1187 = tpu.memref_squeeze %dma_start3A_1186 : memref<1x128x64xf32, #tpu.memory_space<vmem>> -> memref<128x64xf32, #tpu.memory_space<vmem>>
      %dma_start3A_1188 = arith.constant 0 : i32
      %dma_start3A_1189 = tpu.memref_slice %arg4[%add3A_1182, %dma_start3A_1188] : memref<819200x64xf32, #tpu.memory_space<hbm>> -> memref<128x64xf32, #tpu.memory_space<hbm>>
      %dma_start3A_1190 = arith.constant 0 : i32
      %dma_start3A_1191 = tpu.memref_slice %arg4[%add3A_1182, %dma_start3A_1190] : memref<819200x64xf32, #tpu.memory_space<hbm>> -> memref<128x64xf32, #tpu.memory_space<hbm>>
      %dma_start3A_1192 = arith.constant 0 : i32
      %dma_start3A_1193 = arith.constant 0 : i32
      %dma_start3A_1194 = tpu.memref_slice %arg6[%dma_start3A_1183, %dma_start3A_1192, %dma_start3A_1193] : memref<8x128x64xf32, #tpu.memory_space<vmem>> -> memref<1x128x64xf32, #tpu.memory_space<vmem>>
      %dma_start3A_1195 = tpu.memref_squeeze %dma_start3A_1194 : memref<1x128x64xf32, #tpu.memory_space<vmem>> -> memref<128x64xf32, #tpu.memory_space<vmem>>
      tpu.enqueue_dma source(%dma_start3A_1195 : memref<128x64xf32, #tpu.memory_space<vmem>>) target(%dma_start3A_1191 : memref<128x64xf32, #tpu.memory_space<hbm>>) target_semaphore(%arg7 : memref<!tpu.dma_semaphore, #tpu.memory_space<semaphore_mem>>)
      %dma_wait3A_1196 = arith.constant 4 : i32
      %dma_wait3A_1197 = arith.constant 0 : i32
      %dma_wait3A_1198 = arith.constant 0 : i32
      %dma_wait3A_1199 = tpu.memref_slice %arg6[%dma_wait3A_1196, %dma_wait3A_1197, %dma_wait3A_1198] : memref<8x128x64xf32, #tpu.memory_space<vmem>> -> memref<1x128x64xf32, #tpu.memory_space<vmem>>
      %dma_wait3A_1200 = tpu.memref_squeeze %dma_wait3A_1199 : memref<1x128x64xf32, #tpu.memory_space<vmem>> -> memref<128x64xf32, #tpu.memory_space<vmem>>
      %dma_wait3A_1201 = arith.constant 0 : i32
      %dma_wait3A_1202 = tpu.memref_slice %arg4[%mul3A_2, %dma_wait3A_1201] : memref<819200x64xf32, #tpu.memory_space<hbm>> -> memref<128x64xf32, #tpu.memory_space<hbm>>
      %dma_wait3A_1203 = arith.constant 0 : i32
      %dma_wait3A_1204 = tpu.memref_slice %arg4[%mul3A_2, %dma_wait3A_1203] : memref<819200x64xf32, #tpu.memory_space<hbm>> -> memref<128x64xf32, #tpu.memory_space<hbm>>
      %dma_wait3A_1205 = arith.constant 0 : i32
      %dma_wait3A_1206 = arith.constant 0 : i32
      %dma_wait3A_1207 = tpu.memref_slice %arg6[%dma_wait3A_1196, %dma_wait3A_1205, %dma_wait3A_1206] : memref<8x128x64xf32, #tpu.memory_space<vmem>> -> memref<1x128x64xf32, #tpu.memory_space<vmem>>
      %dma_wait3A_1208 = tpu.memref_squeeze %dma_wait3A_1207 : memref<1x128x64xf32, #tpu.memory_space<vmem>> -> memref<128x64xf32, #tpu.memory_space<vmem>>
      tpu.wait_dma2 semaphore(%arg11 : memref<!tpu.dma_semaphore, #tpu.memory_space<semaphore_mem>>) src(%dma_wait3A_1208 : memref<128x64xf32, #tpu.memory_space<vmem>>) dst(%dma_wait3A_1204 : memref<128x64xf32, #tpu.memory_space<hbm>>)
      %add3A_1209 = arith.constant 4 : i32
      %add3A_1210 = arith.addi %add3A_1167, %add3A_1209 : i32
      %mul3A_1211 = arith.constant 128 : i32
      %mul3A_1212 = arith.muli %add3A_1210, %mul3A_1211 : i32
      %add3A_1213 = arith.addi %mul3A_2, %mul3A_1212 : i32
      %jit3A_1214 = arith.constant 16384 : i32
      %div3A_1215 = arith.divsi %add3A_1213, %jit3A_1214 : i32
      %sign3A_1216 = arith.constant 0 : i32
      %sign3A_1217 = arith.cmpi sgt, %add3A_1213, %sign3A_1216 : i32
      %sign3A_1218 = arith.extui %sign3A_1217 : i1 to i32
      %sign3A_1219 = arith.constant 0 : i32
      %sign3A_1220 = arith.cmpi slt, %add3A_1213, %sign3A_1219 : i32
      %sign3A_1221 = arith.extui %sign3A_1220 : i1 to i32
      %sign3A_1222 = arith.subi %sign3A_1218, %sign3A_1221 : i32
      %sign3A_1223 = arith.constant 0 : i32
      %sign3A_1224 = arith.cmpi sgt, %jit3A_1214, %sign3A_1223 : i32
      %sign3A_1225 = arith.extui %sign3A_1224 : i1 to i32
      %sign3A_1226 = arith.constant 0 : i32
      %sign3A_1227 = arith.cmpi slt, %jit3A_1214, %sign3A_1226 : i32
      %sign3A_1228 = arith.extui %sign3A_1227 : i1 to i32
      %sign3A_1229 = arith.subi %sign3A_1225, %sign3A_1228 : i32
      %ne3A_1230 = arith.cmpi ne, %sign3A_1222, %sign3A_1229 : i32
      %rem3A_1231 = arith.remsi %add3A_1213, %jit3A_1214 : i32
      %ne3A_1232 = arith.constant 0 : i32
      %ne3A_1233 = arith.cmpi ne, %rem3A_1231, %ne3A_1232 : i32
      %and3A_1234 = arith.andi %ne3A_1230, %ne3A_1233 : i1
      %sub3A_1235 = arith.constant 1 : i32
      %sub3A_1236 = arith.subi %div3A_1215, %sub3A_1235 : i32
      %select_n3A_1237 = arith.select %and3A_1234, %sub3A_1236, %div3A_1215 : i32
      %sub3A_1238 = arith.subi %select_n3A_1237, %min3A_19 : i32
      %jit3A_1239 = arith.constant 16384 : i32
      %eq3A_1240 = arith.constant 0 : i32
      %eq3A_1241 = arith.cmpi eq, %jit3A_1239, %eq3A_1240 : i32
      %jit3A_1242 = arith.constant 1 : i32
      %select_n3A_1243 = arith.select %eq3A_1241, %jit3A_1242, %jit3A_1239 : i32
      %rem3A_1244 = arith.remsi %add3A_1213, %select_n3A_1243 : i32
      %ne3A_1245 = arith.constant 0 : i32
      %ne3A_1246 = arith.cmpi ne, %rem3A_1244, %ne3A_1245 : i32
      %lt3A_1247 = arith.constant 0 : i32
      %lt3A_1248 = arith.cmpi slt, %rem3A_1244, %lt3A_1247 : i32
      %lt3A_1249 = arith.constant 0 : i32
      %lt3A_1250 = arith.cmpi slt, %select_n3A_1243, %lt3A_1249 : i32
      %ne3A_1251 = arith.xori %lt3A_1248, %lt3A_1250 : i1
      %and3A_1252 = arith.andi %ne3A_1251, %ne3A_1246 : i1
      %add3A_1253 = arith.addi %rem3A_1244, %select_n3A_1243 : i32
      %select_n3A_1254 = arith.select %and3A_1252, %add3A_1253, %rem3A_1244 : i32
      %dma_start3A_1255 = arith.constant 4 : i32
      %dma_start3A_1256 = arith.constant 0 : i32
      %dma_start3A_1257 = arith.constant 0 : i32
      %dma_start3A_1258 = tpu.memref_slice %arg6[%dma_start3A_1255, %dma_start3A_1256, %dma_start3A_1257] : memref<8x128x64xf32, #tpu.memory_space<vmem>> -> memref<1x128x64xf32, #tpu.memory_space<vmem>>
      %dma_start3A_1259 = tpu.memref_squeeze %dma_start3A_1258 : memref<1x128x64xf32, #tpu.memory_space<vmem>> -> memref<128x64xf32, #tpu.memory_space<vmem>>
      %dma_start3A_1260 = tpu.memref_slice %arg5[%sub3A_1238, %select_n3A_1254] : memref<3x16384xi32, #tpu.memory_space<vmem>> -> memref<1x128xi32, #tpu.memory_space<vmem>>
      %dma_start3A_1261 = tpu.memref_squeeze %dma_start3A_1260 : memref<1x128xi32, #tpu.memory_space<vmem>> -> memref<128xi32, #tpu.memory_space<vmem>>
      %dma_start3A_1262 = arith.constant 0 : i32
      %dma_start3A_1263 = arith.constant 0 : i32
      %dma_start3A_1264 = tpu.memref_slice %arg2[%dma_start3A_1262, %dma_start3A_1263] : memref<1000000x64xf32, #tpu.memory_space<hbm>> -> memref<1000000x64xf32, #tpu.memory_space<hbm>>
      tpu.enqueue_indirect_dma source(%dma_start3A_1264 : memref<1000000x64xf32, #tpu.memory_space<hbm>>) target(%dma_start3A_1259 : memref<128x64xf32, #tpu.memory_space<vmem>>) offsets(%dma_start3A_1261 : memref<128xi32, #tpu.memory_space<vmem>>) semaphore(%arg11 : memref<!tpu.dma_semaphore, #tpu.memory_space<semaphore_mem>>)
      %add3A_1265 = arith.constant 5 : i32
      %add3A_1266 = arith.addi %add3A_769, %add3A_1265 : i32
      %dma_wait3A_1267 = arith.constant 0 : i32
      %dma_wait3A_1268 = arith.constant 1 : i32
      %dma_wait3A_1269 = arith.constant 0 : i32
      %dma_wait3A_1270 = arith.constant 0 : i32
      %dma_wait3A_1271 = tpu.memref_slice %arg6[%dma_wait3A_1268, %dma_wait3A_1269, %dma_wait3A_1270] : memref<8x128x64xf32, #tpu.memory_space<vmem>> -> memref<1x128x64xf32, #tpu.memory_space<vmem>>
      %dma_wait3A_1272 = tpu.memref_squeeze %dma_wait3A_1271 : memref<1x128x64xf32, #tpu.memory_space<vmem>> -> memref<128x64xf32, #tpu.memory_space<vmem>>
      %dma_wait3A_1273 = arith.constant 0 : i32
      %dma_wait3A_1274 = tpu.memref_slice %arg5[%dma_wait3A_1267, %dma_wait3A_1273] : memref<3x16384xi32, #tpu.memory_space<vmem>> -> memref<1x128xi32, #tpu.memory_space<vmem>>
      %dma_wait3A_1275 = tpu.memref_squeeze %dma_wait3A_1274 : memref<1x128xi32, #tpu.memory_space<vmem>> -> memref<128xi32, #tpu.memory_space<vmem>>
      %dma_wait3A_1276 = arith.constant 0 : i32
      %dma_wait3A_1277 = arith.constant 0 : i32
      %dma_wait3A_1278 = tpu.memref_slice %arg2[%dma_wait3A_1276, %dma_wait3A_1277] : memref<1000000x64xf32, #tpu.memory_space<hbm>> -> memref<1000000x64xf32, #tpu.memory_space<hbm>>
      tpu.wait_indirect_dma semaphore(%arg8 : memref<!tpu.dma_semaphore, #tpu.memory_space<semaphore_mem>>) src(%dma_wait3A_1278 : memref<1000000x64xf32, #tpu.memory_space<hbm>>) dst(%dma_wait3A_1272 : memref<128x64xf32, #tpu.memory_space<vmem>>)
      %mul3A_1279 = arith.constant 128 : i32
      %mul3A_1280 = arith.muli %add3A_1266, %mul3A_1279 : i32
      %add3A_1281 = arith.addi %mul3A_2, %mul3A_1280 : i32
      %dma_start3A_1282 = arith.constant 1 : i32
      %dma_start3A_1283 = arith.constant 0 : i32
      %dma_start3A_1284 = arith.constant 0 : i32
      %dma_start3A_1285 = tpu.memref_slice %arg6[%dma_start3A_1282, %dma_start3A_1283, %dma_start3A_1284] : memref<8x128x64xf32, #tpu.memory_space<vmem>> -> memref<1x128x64xf32, #tpu.memory_space<vmem>>
      %dma_start3A_1286 = tpu.memref_squeeze %dma_start3A_1285 : memref<1x128x64xf32, #tpu.memory_space<vmem>> -> memref<128x64xf32, #tpu.memory_space<vmem>>
      %dma_start3A_1287 = arith.constant 0 : i32
      %dma_start3A_1288 = tpu.memref_slice %arg4[%add3A_1281, %dma_start3A_1287] : memref<819200x64xf32, #tpu.memory_space<hbm>> -> memref<128x64xf32, #tpu.memory_space<hbm>>
      %dma_start3A_1289 = arith.constant 0 : i32
      %dma_start3A_1290 = tpu.memref_slice %arg4[%add3A_1281, %dma_start3A_1289] : memref<819200x64xf32, #tpu.memory_space<hbm>> -> memref<128x64xf32, #tpu.memory_space<hbm>>
      %dma_start3A_1291 = arith.constant 0 : i32
      %dma_start3A_1292 = arith.constant 0 : i32
      %dma_start3A_1293 = tpu.memref_slice %arg6[%dma_start3A_1282, %dma_start3A_1291, %dma_start3A_1292] : memref<8x128x64xf32, #tpu.memory_space<vmem>> -> memref<1x128x64xf32, #tpu.memory_space<vmem>>
      %dma_start3A_1294 = tpu.memref_squeeze %dma_start3A_1293 : memref<1x128x64xf32, #tpu.memory_space<vmem>> -> memref<128x64xf32, #tpu.memory_space<vmem>>
      tpu.enqueue_dma source(%dma_start3A_1294 : memref<128x64xf32, #tpu.memory_space<vmem>>) target(%dma_start3A_1290 : memref<128x64xf32, #tpu.memory_space<hbm>>) target_semaphore(%arg8 : memref<!tpu.dma_semaphore, #tpu.memory_space<semaphore_mem>>)
      %dma_wait3A_1295 = arith.constant 5 : i32
      %dma_wait3A_1296 = arith.constant 0 : i32
      %dma_wait3A_1297 = arith.constant 0 : i32
      %dma_wait3A_1298 = tpu.memref_slice %arg6[%dma_wait3A_1295, %dma_wait3A_1296, %dma_wait3A_1297] : memref<8x128x64xf32, #tpu.memory_space<vmem>> -> memref<1x128x64xf32, #tpu.memory_space<vmem>>
      %dma_wait3A_1299 = tpu.memref_squeeze %dma_wait3A_1298 : memref<1x128x64xf32, #tpu.memory_space<vmem>> -> memref<128x64xf32, #tpu.memory_space<vmem>>
      %dma_wait3A_1300 = arith.constant 0 : i32
      %dma_wait3A_1301 = tpu.memref_slice %arg4[%mul3A_2, %dma_wait3A_1300] : memref<819200x64xf32, #tpu.memory_space<hbm>> -> memref<128x64xf32, #tpu.memory_space<hbm>>
      %dma_wait3A_1302 = arith.constant 0 : i32
      %dma_wait3A_1303 = tpu.memref_slice %arg4[%mul3A_2, %dma_wait3A_1302] : memref<819200x64xf32, #tpu.memory_space<hbm>> -> memref<128x64xf32, #tpu.memory_space<hbm>>
      %dma_wait3A_1304 = arith.constant 0 : i32
      %dma_wait3A_1305 = arith.constant 0 : i32
      %dma_wait3A_1306 = tpu.memref_slice %arg6[%dma_wait3A_1295, %dma_wait3A_1304, %dma_wait3A_1305] : memref<8x128x64xf32, #tpu.memory_space<vmem>> -> memref<1x128x64xf32, #tpu.memory_space<vmem>>
      %dma_wait3A_1307 = tpu.memref_squeeze %dma_wait3A_1306 : memref<1x128x64xf32, #tpu.memory_space<vmem>> -> memref<128x64xf32, #tpu.memory_space<vmem>>
      tpu.wait_dma2 semaphore(%arg12 : memref<!tpu.dma_semaphore, #tpu.memory_space<semaphore_mem>>) src(%dma_wait3A_1307 : memref<128x64xf32, #tpu.memory_space<vmem>>) dst(%dma_wait3A_1303 : memref<128x64xf32, #tpu.memory_space<hbm>>)
      %add3A_1308 = arith.constant 4 : i32
      %add3A_1309 = arith.addi %add3A_1266, %add3A_1308 : i32
      %mul3A_1310 = arith.constant 128 : i32
      %mul3A_1311 = arith.muli %add3A_1309, %mul3A_1310 : i32
      %add3A_1312 = arith.addi %mul3A_2, %mul3A_1311 : i32
      %jit3A_1313 = arith.constant 16384 : i32
      %div3A_1314 = arith.divsi %add3A_1312, %jit3A_1313 : i32
      %sign3A_1315 = arith.constant 0 : i32
      %sign3A_1316 = arith.cmpi sgt, %add3A_1312, %sign3A_1315 : i32
      %sign3A_1317 = arith.extui %sign3A_1316 : i1 to i32
      %sign3A_1318 = arith.constant 0 : i32
      %sign3A_1319 = arith.cmpi slt, %add3A_1312, %sign3A_1318 : i32
      %sign3A_1320 = arith.extui %sign3A_1319 : i1 to i32
      %sign3A_1321 = arith.subi %sign3A_1317, %sign3A_1320 : i32
      %sign3A_1322 = arith.constant 0 : i32
      %sign3A_1323 = arith.cmpi sgt, %jit3A_1313, %sign3A_1322 : i32
      %sign3A_1324 = arith.extui %sign3A_1323 : i1 to i32
      %sign3A_1325 = arith.constant 0 : i32
      %sign3A_1326 = arith.cmpi slt, %jit3A_1313, %sign3A_1325 : i32
      %sign3A_1327 = arith.extui %sign3A_1326 : i1 to i32
      %sign3A_1328 = arith.subi %sign3A_1324, %sign3A_1327 : i32
      %ne3A_1329 = arith.cmpi ne, %sign3A_1321, %sign3A_1328 : i32
      %rem3A_1330 = arith.remsi %add3A_1312, %jit3A_1313 : i32
      %ne3A_1331 = arith.constant 0 : i32
      %ne3A_1332 = arith.cmpi ne, %rem3A_1330, %ne3A_1331 : i32
      %and3A_1333 = arith.andi %ne3A_1329, %ne3A_1332 : i1
      %sub3A_1334 = arith.constant 1 : i32
      %sub3A_1335 = arith.subi %div3A_1314, %sub3A_1334 : i32
      %select_n3A_1336 = arith.select %and3A_1333, %sub3A_1335, %div3A_1314 : i32
      %sub3A_1337 = arith.subi %select_n3A_1336, %min3A_19 : i32
      %jit3A_1338 = arith.constant 16384 : i32
      %eq3A_1339 = arith.constant 0 : i32
      %eq3A_1340 = arith.cmpi eq, %jit3A_1338, %eq3A_1339 : i32
      %jit3A_1341 = arith.constant 1 : i32
      %select_n3A_1342 = arith.select %eq3A_1340, %jit3A_1341, %jit3A_1338 : i32
      %rem3A_1343 = arith.remsi %add3A_1312, %select_n3A_1342 : i32
      %ne3A_1344 = arith.constant 0 : i32
      %ne3A_1345 = arith.cmpi ne, %rem3A_1343, %ne3A_1344 : i32
      %lt3A_1346 = arith.constant 0 : i32
      %lt3A_1347 = arith.cmpi slt, %rem3A_1343, %lt3A_1346 : i32
      %lt3A_1348 = arith.constant 0 : i32
      %lt3A_1349 = arith.cmpi slt, %select_n3A_1342, %lt3A_1348 : i32
      %ne3A_1350 = arith.xori %lt3A_1347, %lt3A_1349 : i1
      %and3A_1351 = arith.andi %ne3A_1350, %ne3A_1345 : i1
      %add3A_1352 = arith.addi %rem3A_1343, %select_n3A_1342 : i32
      %select_n3A_1353 = arith.select %and3A_1351, %add3A_1352, %rem3A_1343 : i32
      %dma_start3A_1354 = arith.constant 5 : i32
      %dma_start3A_1355 = arith.constant 0 : i32
      %dma_start3A_1356 = arith.constant 0 : i32
      %dma_start3A_1357 = tpu.memref_slice %arg6[%dma_start3A_1354, %dma_start3A_1355, %dma_start3A_1356] : memref<8x128x64xf32, #tpu.memory_space<vmem>> -> memref<1x128x64xf32, #tpu.memory_space<vmem>>
      %dma_start3A_1358 = tpu.memref_squeeze %dma_start3A_1357 : memref<1x128x64xf32, #tpu.memory_space<vmem>> -> memref<128x64xf32, #tpu.memory_space<vmem>>
      %dma_start3A_1359 = tpu.memref_slice %arg5[%sub3A_1337, %select_n3A_1353] : memref<3x16384xi32, #tpu.memory_space<vmem>> -> memref<1x128xi32, #tpu.memory_space<vmem>>
      %dma_start3A_1360 = tpu.memref_squeeze %dma_start3A_1359 : memref<1x128xi32, #tpu.memory_space<vmem>> -> memref<128xi32, #tpu.memory_space<vmem>>
      %dma_start3A_1361 = arith.constant 0 : i32
      %dma_start3A_1362 = arith.constant 0 : i32
      %dma_start3A_1363 = tpu.memref_slice %arg2[%dma_start3A_1361, %dma_start3A_1362] : memref<1000000x64xf32, #tpu.memory_space<hbm>> -> memref<1000000x64xf32, #tpu.memory_space<hbm>>
      tpu.enqueue_indirect_dma source(%dma_start3A_1363 : memref<1000000x64xf32, #tpu.memory_space<hbm>>) target(%dma_start3A_1358 : memref<128x64xf32, #tpu.memory_space<vmem>>) offsets(%dma_start3A_1360 : memref<128xi32, #tpu.memory_space<vmem>>) semaphore(%arg12 : memref<!tpu.dma_semaphore, #tpu.memory_space<semaphore_mem>>)
      %add3A_1364 = arith.constant 6 : i32
      %add3A_1365 = arith.addi %add3A_769, %add3A_1364 : i32
      %dma_wait3A_1366 = arith.constant 0 : i32
      %dma_wait3A_1367 = arith.constant 2 : i32
      %dma_wait3A_1368 = arith.constant 0 : i32
      %dma_wait3A_1369 = arith.constant 0 : i32
      %dma_wait3A_1370 = tpu.memref_slice %arg6[%dma_wait3A_1367, %dma_wait3A_1368, %dma_wait3A_1369] : memref<8x128x64xf32, #tpu.memory_space<vmem>> -> memref<1x128x64xf32, #tpu.memory_space<vmem>>
      %dma_wait3A_1371 = tpu.memref_squeeze %dma_wait3A_1370 : memref<1x128x64xf32, #tpu.memory_space<vmem>> -> memref<128x64xf32, #tpu.memory_space<vmem>>
      %dma_wait3A_1372 = arith.constant 0 : i32
      %dma_wait3A_1373 = tpu.memref_slice %arg5[%dma_wait3A_1366, %dma_wait3A_1372] : memref<3x16384xi32, #tpu.memory_space<vmem>> -> memref<1x128xi32, #tpu.memory_space<vmem>>
      %dma_wait3A_1374 = tpu.memref_squeeze %dma_wait3A_1373 : memref<1x128xi32, #tpu.memory_space<vmem>> -> memref<128xi32, #tpu.memory_space<vmem>>
      %dma_wait3A_1375 = arith.constant 0 : i32
      %dma_wait3A_1376 = arith.constant 0 : i32
      %dma_wait3A_1377 = tpu.memref_slice %arg2[%dma_wait3A_1375, %dma_wait3A_1376] : memref<1000000x64xf32, #tpu.memory_space<hbm>> -> memref<1000000x64xf32, #tpu.memory_space<hbm>>
      tpu.wait_indirect_dma semaphore(%arg9 : memref<!tpu.dma_semaphore, #tpu.memory_space<semaphore_mem>>) src(%dma_wait3A_1377 : memref<1000000x64xf32, #tpu.memory_space<hbm>>) dst(%dma_wait3A_1371 : memref<128x64xf32, #tpu.memory_space<vmem>>)
      %mul3A_1378 = arith.constant 128 : i32
      %mul3A_1379 = arith.muli %add3A_1365, %mul3A_1378 : i32
      %add3A_1380 = arith.addi %mul3A_2, %mul3A_1379 : i32
      %dma_start3A_1381 = arith.constant 2 : i32
      %dma_start3A_1382 = arith.constant 0 : i32
      %dma_start3A_1383 = arith.constant 0 : i32
      %dma_start3A_1384 = tpu.memref_slice %arg6[%dma_start3A_1381, %dma_start3A_1382, %dma_start3A_1383] : memref<8x128x64xf32, #tpu.memory_space<vmem>> -> memref<1x128x64xf32, #tpu.memory_space<vmem>>
      %dma_start3A_1385 = tpu.memref_squeeze %dma_start3A_1384 : memref<1x128x64xf32, #tpu.memory_space<vmem>> -> memref<128x64xf32, #tpu.memory_space<vmem>>
      %dma_start3A_1386 = arith.constant 0 : i32
      %dma_start3A_1387 = tpu.memref_slice %arg4[%add3A_1380, %dma_start3A_1386] : memref<819200x64xf32, #tpu.memory_space<hbm>> -> memref<128x64xf32, #tpu.memory_space<hbm>>
      %dma_start3A_1388 = arith.constant 0 : i32
      %dma_start3A_1389 = tpu.memref_slice %arg4[%add3A_1380, %dma_start3A_1388] : memref<819200x64xf32, #tpu.memory_space<hbm>> -> memref<128x64xf32, #tpu.memory_space<hbm>>
      %dma_start3A_1390 = arith.constant 0 : i32
      %dma_start3A_1391 = arith.constant 0 : i32
      %dma_start3A_1392 = tpu.memref_slice %arg6[%dma_start3A_1381, %dma_start3A_1390, %dma_start3A_1391] : memref<8x128x64xf32, #tpu.memory_space<vmem>> -> memref<1x128x64xf32, #tpu.memory_space<vmem>>
      %dma_start3A_1393 = tpu.memref_squeeze %dma_start3A_1392 : memref<1x128x64xf32, #tpu.memory_space<vmem>> -> memref<128x64xf32, #tpu.memory_space<vmem>>
      tpu.enqueue_dma source(%dma_start3A_1393 : memref<128x64xf32, #tpu.memory_space<vmem>>) target(%dma_start3A_1389 : memref<128x64xf32, #tpu.memory_space<hbm>>) target_semaphore(%arg9 : memref<!tpu.dma_semaphore, #tpu.memory_space<semaphore_mem>>)
      %dma_wait3A_1394 = arith.constant 6 : i32
      %dma_wait3A_1395 = arith.constant 0 : i32
      %dma_wait3A_1396 = arith.constant 0 : i32
      %dma_wait3A_1397 = tpu.memref_slice %arg6[%dma_wait3A_1394, %dma_wait3A_1395, %dma_wait3A_1396] : memref<8x128x64xf32, #tpu.memory_space<vmem>> -> memref<1x128x64xf32, #tpu.memory_space<vmem>>
      %dma_wait3A_1398 = tpu.memref_squeeze %dma_wait3A_1397 : memref<1x128x64xf32, #tpu.memory_space<vmem>> -> memref<128x64xf32, #tpu.memory_space<vmem>>
      %dma_wait3A_1399 = arith.constant 0 : i32
      %dma_wait3A_1400 = tpu.memref_slice %arg4[%mul3A_2, %dma_wait3A_1399] : memref<819200x64xf32, #tpu.memory_space<hbm>> -> memref<128x64xf32, #tpu.memory_space<hbm>>
      %dma_wait3A_1401 = arith.constant 0 : i32
      %dma_wait3A_1402 = tpu.memref_slice %arg4[%mul3A_2, %dma_wait3A_1401] : memref<819200x64xf32, #tpu.memory_space<hbm>> -> memref<128x64xf32, #tpu.memory_space<hbm>>
      %dma_wait3A_1403 = arith.constant 0 : i32
      %dma_wait3A_1404 = arith.constant 0 : i32
      %dma_wait3A_1405 = tpu.memref_slice %arg6[%dma_wait3A_1394, %dma_wait3A_1403, %dma_wait3A_1404] : memref<8x128x64xf32, #tpu.memory_space<vmem>> -> memref<1x128x64xf32, #tpu.memory_space<vmem>>
      %dma_wait3A_1406 = tpu.memref_squeeze %dma_wait3A_1405 : memref<1x128x64xf32, #tpu.memory_space<vmem>> -> memref<128x64xf32, #tpu.memory_space<vmem>>
      tpu.wait_dma2 semaphore(%arg13 : memref<!tpu.dma_semaphore, #tpu.memory_space<semaphore_mem>>) src(%dma_wait3A_1406 : memref<128x64xf32, #tpu.memory_space<vmem>>) dst(%dma_wait3A_1402 : memref<128x64xf32, #tpu.memory_space<hbm>>)
      %add3A_1407 = arith.constant 4 : i32
      %add3A_1408 = arith.addi %add3A_1365, %add3A_1407 : i32
      %mul3A_1409 = arith.constant 128 : i32
      %mul3A_1410 = arith.muli %add3A_1408, %mul3A_1409 : i32
      %add3A_1411 = arith.addi %mul3A_2, %mul3A_1410 : i32
      %jit3A_1412 = arith.constant 16384 : i32
      %div3A_1413 = arith.divsi %add3A_1411, %jit3A_1412 : i32
      %sign3A_1414 = arith.constant 0 : i32
      %sign3A_1415 = arith.cmpi sgt, %add3A_1411, %sign3A_1414 : i32
      %sign3A_1416 = arith.extui %sign3A_1415 : i1 to i32
      %sign3A_1417 = arith.constant 0 : i32
      %sign3A_1418 = arith.cmpi slt, %add3A_1411, %sign3A_1417 : i32
      %sign3A_1419 = arith.extui %sign3A_1418 : i1 to i32
      %sign3A_1420 = arith.subi %sign3A_1416, %sign3A_1419 : i32
      %sign3A_1421 = arith.constant 0 : i32
      %sign3A_1422 = arith.cmpi sgt, %jit3A_1412, %sign3A_1421 : i32
      %sign3A_1423 = arith.extui %sign3A_1422 : i1 to i32
      %sign3A_1424 = arith.constant 0 : i32
      %sign3A_1425 = arith.cmpi slt, %jit3A_1412, %sign3A_1424 : i32
      %sign3A_1426 = arith.extui %sign3A_1425 : i1 to i32
      %sign3A_1427 = arith.subi %sign3A_1423, %sign3A_1426 : i32
      %ne3A_1428 = arith.cmpi ne, %sign3A_1420, %sign3A_1427 : i32
      %rem3A_1429 = arith.remsi %add3A_1411, %jit3A_1412 : i32
      %ne3A_1430 = arith.constant 0 : i32
      %ne3A_1431 = arith.cmpi ne, %rem3A_1429, %ne3A_1430 : i32
      %and3A_1432 = arith.andi %ne3A_1428, %ne3A_1431 : i1
      %sub3A_1433 = arith.constant 1 : i32
      %sub3A_1434 = arith.subi %div3A_1413, %sub3A_1433 : i32
      %select_n3A_1435 = arith.select %and3A_1432, %sub3A_1434, %div3A_1413 : i32
      %sub3A_1436 = arith.subi %select_n3A_1435, %min3A_19 : i32
      %jit3A_1437 = arith.constant 16384 : i32
      %eq3A_1438 = arith.constant 0 : i32
      %eq3A_1439 = arith.cmpi eq, %jit3A_1437, %eq3A_1438 : i32
      %jit3A_1440 = arith.constant 1 : i32
      %select_n3A_1441 = arith.select %eq3A_1439, %jit3A_1440, %jit3A_1437 : i32
      %rem3A_1442 = arith.remsi %add3A_1411, %select_n3A_1441 : i32
      %ne3A_1443 = arith.constant 0 : i32
      %ne3A_1444 = arith.cmpi ne, %rem3A_1442, %ne3A_1443 : i32
      %lt3A_1445 = arith.constant 0 : i32
      %lt3A_1446 = arith.cmpi slt, %rem3A_1442, %lt3A_1445 : i32
      %lt3A_1447 = arith.constant 0 : i32
      %lt3A_1448 = arith.cmpi slt, %select_n3A_1441, %lt3A_1447 : i32
      %ne3A_1449 = arith.xori %lt3A_1446, %lt3A_1448 : i1
      %and3A_1450 = arith.andi %ne3A_1449, %ne3A_1444 : i1
      %add3A_1451 = arith.addi %rem3A_1442, %select_n3A_1441 : i32
      %select_n3A_1452 = arith.select %and3A_1450, %add3A_1451, %rem3A_1442 : i32
      %dma_start3A_1453 = arith.constant 6 : i32
      %dma_start3A_1454 = arith.constant 0 : i32
      %dma_start3A_1455 = arith.constant 0 : i32
      %dma_start3A_1456 = tpu.memref_slice %arg6[%dma_start3A_1453, %dma_start3A_1454, %dma_start3A_1455] : memref<8x128x64xf32, #tpu.memory_space<vmem>> -> memref<1x128x64xf32, #tpu.memory_space<vmem>>
      %dma_start3A_1457 = tpu.memref_squeeze %dma_start3A_1456 : memref<1x128x64xf32, #tpu.memory_space<vmem>> -> memref<128x64xf32, #tpu.memory_space<vmem>>
      %dma_start3A_1458 = tpu.memref_slice %arg5[%sub3A_1436, %select_n3A_1452] : memref<3x16384xi32, #tpu.memory_space<vmem>> -> memref<1x128xi32, #tpu.memory_space<vmem>>
      %dma_start3A_1459 = tpu.memref_squeeze %dma_start3A_1458 : memref<1x128xi32, #tpu.memory_space<vmem>> -> memref<128xi32, #tpu.memory_space<vmem>>
      %dma_start3A_1460 = arith.constant 0 : i32
      %dma_start3A_1461 = arith.constant 0 : i32
      %dma_start3A_1462 = tpu.memref_slice %arg2[%dma_start3A_1460, %dma_start3A_1461] : memref<1000000x64xf32, #tpu.memory_space<hbm>> -> memref<1000000x64xf32, #tpu.memory_space<hbm>>
      tpu.enqueue_indirect_dma source(%dma_start3A_1462 : memref<1000000x64xf32, #tpu.memory_space<hbm>>) target(%dma_start3A_1457 : memref<128x64xf32, #tpu.memory_space<vmem>>) offsets(%dma_start3A_1459 : memref<128xi32, #tpu.memory_space<vmem>>) semaphore(%arg13 : memref<!tpu.dma_semaphore, #tpu.memory_space<semaphore_mem>>)
      %add3A_1463 = arith.constant 7 : i32
      %add3A_1464 = arith.addi %add3A_769, %add3A_1463 : i32
      %dma_wait3A_1465 = arith.constant 0 : i32
      %dma_wait3A_1466 = arith.constant 3 : i32
      %dma_wait3A_1467 = arith.constant 0 : i32
      %dma_wait3A_1468 = arith.constant 0 : i32
      %dma_wait3A_1469 = tpu.memref_slice %arg6[%dma_wait3A_1466, %dma_wait3A_1467, %dma_wait3A_1468] : memref<8x128x64xf32, #tpu.memory_space<vmem>> -> memref<1x128x64xf32, #tpu.memory_space<vmem>>
      %dma_wait3A_1470 = tpu.memref_squeeze %dma_wait3A_1469 : memref<1x128x64xf32, #tpu.memory_space<vmem>> -> memref<128x64xf32, #tpu.memory_space<vmem>>
      %dma_wait3A_1471 = arith.constant 0 : i32
      %dma_wait3A_1472 = tpu.memref_slice %arg5[%dma_wait3A_1465, %dma_wait3A_1471] : memref<3x16384xi32, #tpu.memory_space<vmem>> -> memref<1x128xi32, #tpu.memory_space<vmem>>
      %dma_wait3A_1473 = tpu.memref_squeeze %dma_wait3A_1472 : memref<1x128xi32, #tpu.memory_space<vmem>> -> memref<128xi32, #tpu.memory_space<vmem>>
      %dma_wait3A_1474 = arith.constant 0 : i32
      %dma_wait3A_1475 = arith.constant 0 : i32
      %dma_wait3A_1476 = tpu.memref_slice %arg2[%dma_wait3A_1474, %dma_wait3A_1475] : memref<1000000x64xf32, #tpu.memory_space<hbm>> -> memref<1000000x64xf32, #tpu.memory_space<hbm>>
      tpu.wait_indirect_dma semaphore(%arg10 : memref<!tpu.dma_semaphore, #tpu.memory_space<semaphore_mem>>) src(%dma_wait3A_1476 : memref<1000000x64xf32, #tpu.memory_space<hbm>>) dst(%dma_wait3A_1470 : memref<128x64xf32, #tpu.memory_space<vmem>>)
      %mul3A_1477 = arith.constant 128 : i32
      %mul3A_1478 = arith.muli %add3A_1464, %mul3A_1477 : i32
      %add3A_1479 = arith.addi %mul3A_2, %mul3A_1478 : i32
      %dma_start3A_1480 = arith.constant 3 : i32
      %dma_start3A_1481 = arith.constant 0 : i32
      %dma_start3A_1482 = arith.constant 0 : i32
      %dma_start3A_1483 = tpu.memref_slice %arg6[%dma_start3A_1480, %dma_start3A_1481, %dma_start3A_1482] : memref<8x128x64xf32, #tpu.memory_space<vmem>> -> memref<1x128x64xf32, #tpu.memory_space<vmem>>
      %dma_start3A_1484 = tpu.memref_squeeze %dma_start3A_1483 : memref<1x128x64xf32, #tpu.memory_space<vmem>> -> memref<128x64xf32, #tpu.memory_space<vmem>>
      %dma_start3A_1485 = arith.constant 0 : i32
      %dma_start3A_1486 = tpu.memref_slice %arg4[%add3A_1479, %dma_start3A_1485] : memref<819200x64xf32, #tpu.memory_space<hbm>> -> memref<128x64xf32, #tpu.memory_space<hbm>>
      %dma_start3A_1487 = arith.constant 0 : i32
      %dma_start3A_1488 = tpu.memref_slice %arg4[%add3A_1479, %dma_start3A_1487] : memref<819200x64xf32, #tpu.memory_space<hbm>> -> memref<128x64xf32, #tpu.memory_space<hbm>>
      %dma_start3A_1489 = arith.constant 0 : i32
      %dma_start3A_1490 = arith.constant 0 : i32
      %dma_start3A_1491 = tpu.memref_slice %arg6[%dma_start3A_1480, %dma_start3A_1489, %dma_start3A_1490] : memref<8x128x64xf32, #tpu.memory_space<vmem>> -> memref<1x128x64xf32, #tpu.memory_space<vmem>>
      %dma_start3A_1492 = tpu.memref_squeeze %dma_start3A_1491 : memref<1x128x64xf32, #tpu.memory_space<vmem>> -> memref<128x64xf32, #tpu.memory_space<vmem>>
      tpu.enqueue_dma source(%dma_start3A_1492 : memref<128x64xf32, #tpu.memory_space<vmem>>) target(%dma_start3A_1488 : memref<128x64xf32, #tpu.memory_space<hbm>>) target_semaphore(%arg10 : memref<!tpu.dma_semaphore, #tpu.memory_space<semaphore_mem>>)
      %dma_wait3A_1493 = arith.constant 7 : i32
      %dma_wait3A_1494 = arith.constant 0 : i32
      %dma_wait3A_1495 = arith.constant 0 : i32
      %dma_wait3A_1496 = tpu.memref_slice %arg6[%dma_wait3A_1493, %dma_wait3A_1494, %dma_wait3A_1495] : memref<8x128x64xf32, #tpu.memory_space<vmem>> -> memref<1x128x64xf32, #tpu.memory_space<vmem>>
      %dma_wait3A_1497 = tpu.memref_squeeze %dma_wait3A_1496 : memref<1x128x64xf32, #tpu.memory_space<vmem>> -> memref<128x64xf32, #tpu.memory_space<vmem>>
      %dma_wait3A_1498 = arith.constant 0 : i32
      %dma_wait3A_1499 = tpu.memref_slice %arg4[%mul3A_2, %dma_wait3A_1498] : memref<819200x64xf32, #tpu.memory_space<hbm>> -> memref<128x64xf32, #tpu.memory_space<hbm>>
      %dma_wait3A_1500 = arith.constant 0 : i32
      %dma_wait3A_1501 = tpu.memref_slice %arg4[%mul3A_2, %dma_wait3A_1500] : memref<819200x64xf32, #tpu.memory_space<hbm>> -> memref<128x64xf32, #tpu.memory_space<hbm>>
      %dma_wait3A_1502 = arith.constant 0 : i32
      %dma_wait3A_1503 = arith.constant 0 : i32
      %dma_wait3A_1504 = tpu.memref_slice %arg6[%dma_wait3A_1493, %dma_wait3A_1502, %dma_wait3A_1503] : memref<8x128x64xf32, #tpu.memory_space<vmem>> -> memref<1x128x64xf32, #tpu.memory_space<vmem>>
      %dma_wait3A_1505 = tpu.memref_squeeze %dma_wait3A_1504 : memref<1x128x64xf32, #tpu.memory_space<vmem>> -> memref<128x64xf32, #tpu.memory_space<vmem>>
      tpu.wait_dma2 semaphore(%arg14 : memref<!tpu.dma_semaphore, #tpu.memory_space<semaphore_mem>>) src(%dma_wait3A_1505 : memref<128x64xf32, #tpu.memory_space<vmem>>) dst(%dma_wait3A_1501 : memref<128x64xf32, #tpu.memory_space<hbm>>)
      %add3A_1506 = arith.constant 4 : i32
      %add3A_1507 = arith.addi %add3A_1464, %add3A_1506 : i32
      %mul3A_1508 = arith.constant 128 : i32
      %mul3A_1509 = arith.muli %add3A_1507, %mul3A_1508 : i32
      %add3A_1510 = arith.addi %mul3A_2, %mul3A_1509 : i32
      %jit3A_1511 = arith.constant 16384 : i32
      %div3A_1512 = arith.divsi %add3A_1510, %jit3A_1511 : i32
      %sign3A_1513 = arith.constant 0 : i32
      %sign3A_1514 = arith.cmpi sgt, %add3A_1510, %sign3A_1513 : i32
      %sign3A_1515 = arith.extui %sign3A_1514 : i1 to i32
      %sign3A_1516 = arith.constant 0 : i32
      %sign3A_1517 = arith.cmpi slt, %add3A_1510, %sign3A_1516 : i32
      %sign3A_1518 = arith.extui %sign3A_1517 : i1 to i32
      %sign3A_1519 = arith.subi %sign3A_1515, %sign3A_1518 : i32
      %sign3A_1520 = arith.constant 0 : i32
      %sign3A_1521 = arith.cmpi sgt, %jit3A_1511, %sign3A_1520 : i32
      %sign3A_1522 = arith.extui %sign3A_1521 : i1 to i32
      %sign3A_1523 = arith.constant 0 : i32
      %sign3A_1524 = arith.cmpi slt, %jit3A_1511, %sign3A_1523 : i32
      %sign3A_1525 = arith.extui %sign3A_1524 : i1 to i32
      %sign3A_1526 = arith.subi %sign3A_1522, %sign3A_1525 : i32
      %ne3A_1527 = arith.cmpi ne, %sign3A_1519, %sign3A_1526 : i32
      %rem3A_1528 = arith.remsi %add3A_1510, %jit3A_1511 : i32
      %ne3A_1529 = arith.constant 0 : i32
      %ne3A_1530 = arith.cmpi ne, %rem3A_1528, %ne3A_1529 : i32
      %and3A_1531 = arith.andi %ne3A_1527, %ne3A_1530 : i1
      %sub3A_1532 = arith.constant 1 : i32
      %sub3A_1533 = arith.subi %div3A_1512, %sub3A_1532 : i32
      %select_n3A_1534 = arith.select %and3A_1531, %sub3A_1533, %div3A_1512 : i32
      %sub3A_1535 = arith.subi %select_n3A_1534, %min3A_19 : i32
      %jit3A_1536 = arith.constant 16384 : i32
      %eq3A_1537 = arith.constant 0 : i32
      %eq3A_1538 = arith.cmpi eq, %jit3A_1536, %eq3A_1537 : i32
      %jit3A_1539 = arith.constant 1 : i32
      %select_n3A_1540 = arith.select %eq3A_1538, %jit3A_1539, %jit3A_1536 : i32
      %rem3A_1541 = arith.remsi %add3A_1510, %select_n3A_1540 : i32
      %ne3A_1542 = arith.constant 0 : i32
      %ne3A_1543 = arith.cmpi ne, %rem3A_1541, %ne3A_1542 : i32
      %lt3A_1544 = arith.constant 0 : i32
      %lt3A_1545 = arith.cmpi slt, %rem3A_1541, %lt3A_1544 : i32
      %lt3A_1546 = arith.constant 0 : i32
      %lt3A_1547 = arith.cmpi slt, %select_n3A_1540, %lt3A_1546 : i32
      %ne3A_1548 = arith.xori %lt3A_1545, %lt3A_1547 : i1
      %and3A_1549 = arith.andi %ne3A_1548, %ne3A_1543 : i1
      %add3A_1550 = arith.addi %rem3A_1541, %select_n3A_1540 : i32
      %select_n3A_1551 = arith.select %and3A_1549, %add3A_1550, %rem3A_1541 : i32
      %dma_start3A_1552 = arith.constant 7 : i32
      %dma_start3A_1553 = arith.constant 0 : i32
      %dma_start3A_1554 = arith.constant 0 : i32
      %dma_start3A_1555 = tpu.memref_slice %arg6[%dma_start3A_1552, %dma_start3A_1553, %dma_start3A_1554] : memref<8x128x64xf32, #tpu.memory_space<vmem>> -> memref<1x128x64xf32, #tpu.memory_space<vmem>>
      %dma_start3A_1556 = tpu.memref_squeeze %dma_start3A_1555 : memref<1x128x64xf32, #tpu.memory_space<vmem>> -> memref<128x64xf32, #tpu.memory_space<vmem>>
      %dma_start3A_1557 = tpu.memref_slice %arg5[%sub3A_1535, %select_n3A_1551] : memref<3x16384xi32, #tpu.memory_space<vmem>> -> memref<1x128xi32, #tpu.memory_space<vmem>>
      %dma_start3A_1558 = tpu.memref_squeeze %dma_start3A_1557 : memref<1x128xi32, #tpu.memory_space<vmem>> -> memref<128xi32, #tpu.memory_space<vmem>>
      %dma_start3A_1559 = arith.constant 0 : i32
      %dma_start3A_1560 = arith.constant 0 : i32
      %dma_start3A_1561 = tpu.memref_slice %arg2[%dma_start3A_1559, %dma_start3A_1560] : memref<1000000x64xf32, #tpu.memory_space<hbm>> -> memref<1000000x64xf32, #tpu.memory_space<hbm>>
      tpu.enqueue_indirect_dma source(%dma_start3A_1561 : memref<1000000x64xf32, #tpu.memory_space<hbm>>) target(%dma_start3A_1556 : memref<128x64xf32, #tpu.memory_space<vmem>>) offsets(%dma_start3A_1558 : memref<128xi32, #tpu.memory_space<vmem>>) semaphore(%arg14 : memref<!tpu.dma_semaphore, #tpu.memory_space<semaphore_mem>>)
    }
    %scan3A_552 = arith.constant 24 : i32
    %dma_wait3A_553 = arith.constant 0 : i32
    %dma_wait3A_554 = arith.constant 4 : i32
    %dma_wait3A_555 = arith.constant 0 : i32
    %dma_wait3A_556 = arith.constant 0 : i32
    %dma_wait3A_557 = tpu.memref_slice %arg6[%dma_wait3A_554, %dma_wait3A_555, %dma_wait3A_556] : memref<8x128x64xf32, #tpu.memory_space<vmem>> -> memref<1x128x64xf32, #tpu.memory_space<vmem>>
    %dma_wait3A_558 = tpu.memref_squeeze %dma_wait3A_557 : memref<1x128x64xf32, #tpu.memory_space<vmem>> -> memref<128x64xf32, #tpu.memory_space<vmem>>
    %dma_wait3A_559 = arith.constant 0 : i32
    %dma_wait3A_560 = tpu.memref_slice %arg5[%dma_wait3A_553, %dma_wait3A_559] : memref<3x16384xi32, #tpu.memory_space<vmem>> -> memref<1x128xi32, #tpu.memory_space<vmem>>
    %dma_wait3A_561 = tpu.memref_squeeze %dma_wait3A_560 : memref<1x128xi32, #tpu.memory_space<vmem>> -> memref<128xi32, #tpu.memory_space<vmem>>
    %dma_wait3A_562 = arith.constant 0 : i32
    %dma_wait3A_563 = arith.constant 0 : i32
    %dma_wait3A_564 = tpu.memref_slice %arg2[%dma_wait3A_562, %dma_wait3A_563] : memref<1000000x64xf32, #tpu.memory_space<hbm>> -> memref<1000000x64xf32, #tpu.memory_space<hbm>>
    tpu.wait_indirect_dma semaphore(%arg11 : memref<!tpu.dma_semaphore, #tpu.memory_space<semaphore_mem>>) src(%dma_wait3A_564 : memref<1000000x64xf32, #tpu.memory_space<hbm>>) dst(%dma_wait3A_558 : memref<128x64xf32, #tpu.memory_space<vmem>>)
    %add3A_565 = arith.constant 25088 : i32
    %add3A_566 = arith.addi %mul3A_2, %add3A_565 : i32
    %dma_start3A_567 = arith.constant 4 : i32
    %dma_start3A_568 = arith.constant 0 : i32
    %dma_start3A_569 = arith.constant 0 : i32
    %dma_start3A_570 = tpu.memref_slice %arg6[%dma_start3A_567, %dma_start3A_568, %dma_start3A_569] : memref<8x128x64xf32, #tpu.memory_space<vmem>> -> memref<1x128x64xf32, #tpu.memory_space<vmem>>
    %dma_start3A_571 = tpu.memref_squeeze %dma_start3A_570 : memref<1x128x64xf32, #tpu.memory_space<vmem>> -> memref<128x64xf32, #tpu.memory_space<vmem>>
    %dma_start3A_572 = arith.constant 0 : i32
    %dma_start3A_573 = tpu.memref_slice %arg4[%add3A_566, %dma_start3A_572] : memref<819200x64xf32, #tpu.memory_space<hbm>> -> memref<128x64xf32, #tpu.memory_space<hbm>>
    %dma_start3A_574 = arith.constant 0 : i32
    %dma_start3A_575 = tpu.memref_slice %arg4[%add3A_566, %dma_start3A_574] : memref<819200x64xf32, #tpu.memory_space<hbm>> -> memref<128x64xf32, #tpu.memory_space<hbm>>
    %dma_start3A_576 = arith.constant 0 : i32
    %dma_start3A_577 = arith.constant 0 : i32
    %dma_start3A_578 = tpu.memref_slice %arg6[%dma_start3A_567, %dma_start3A_576, %dma_start3A_577] : memref<8x128x64xf32, #tpu.memory_space<vmem>> -> memref<1x128x64xf32, #tpu.memory_space<vmem>>
    %dma_start3A_579 = tpu.memref_squeeze %dma_start3A_578 : memref<1x128x64xf32, #tpu.memory_space<vmem>> -> memref<128x64xf32, #tpu.memory_space<vmem>>
    tpu.enqueue_dma source(%dma_start3A_579 : memref<128x64xf32, #tpu.memory_space<vmem>>) target(%dma_start3A_575 : memref<128x64xf32, #tpu.memory_space<hbm>>) target_semaphore(%arg11 : memref<!tpu.dma_semaphore, #tpu.memory_space<semaphore_mem>>)
    %dma_wait3A_580 = arith.constant 0 : i32
    %dma_wait3A_581 = arith.constant 5 : i32
    %dma_wait3A_582 = arith.constant 0 : i32
    %dma_wait3A_583 = arith.constant 0 : i32
    %dma_wait3A_584 = tpu.memref_slice %arg6[%dma_wait3A_581, %dma_wait3A_582, %dma_wait3A_583] : memref<8x128x64xf32, #tpu.memory_space<vmem>> -> memref<1x128x64xf32, #tpu.memory_space<vmem>>
    %dma_wait3A_585 = tpu.memref_squeeze %dma_wait3A_584 : memref<1x128x64xf32, #tpu.memory_space<vmem>> -> memref<128x64xf32, #tpu.memory_space<vmem>>
    %dma_wait3A_586 = arith.constant 0 : i32
    %dma_wait3A_587 = tpu.memref_slice %arg5[%dma_wait3A_580, %dma_wait3A_586] : memref<3x16384xi32, #tpu.memory_space<vmem>> -> memref<1x128xi32, #tpu.memory_space<vmem>>
    %dma_wait3A_588 = tpu.memref_squeeze %dma_wait3A_587 : memref<1x128xi32, #tpu.memory_space<vmem>> -> memref<128xi32, #tpu.memory_space<vmem>>
    %dma_wait3A_589 = arith.constant 0 : i32
    %dma_wait3A_590 = arith.constant 0 : i32
    %dma_wait3A_591 = tpu.memref_slice %arg2[%dma_wait3A_589, %dma_wait3A_590] : memref<1000000x64xf32, #tpu.memory_space<hbm>> -> memref<1000000x64xf32, #tpu.memory_space<hbm>>
    tpu.wait_indirect_dma semaphore(%arg12 : memref<!tpu.dma_semaphore, #tpu.memory_space<semaphore_mem>>) src(%dma_wait3A_591 : memref<1000000x64xf32, #tpu.memory_space<hbm>>) dst(%dma_wait3A_585 : memref<128x64xf32, #tpu.memory_space<vmem>>)
    %add3A_592 = arith.constant 25216 : i32
    %add3A_593 = arith.addi %mul3A_2, %add3A_592 : i32
    %dma_start3A_594 = arith.constant 5 : i32
    %dma_start3A_595 = arith.constant 0 : i32
    %dma_start3A_596 = arith.constant 0 : i32
    %dma_start3A_597 = tpu.memref_slice %arg6[%dma_start3A_594, %dma_start3A_595, %dma_start3A_596] : memref<8x128x64xf32, #tpu.memory_space<vmem>> -> memref<1x128x64xf32, #tpu.memory_space<vmem>>
    %dma_start3A_598 = tpu.memref_squeeze %dma_start3A_597 : memref<1x128x64xf32, #tpu.memory_space<vmem>> -> memref<128x64xf32, #tpu.memory_space<vmem>>
    %dma_start3A_599 = arith.constant 0 : i32
    %dma_start3A_600 = tpu.memref_slice %arg4[%add3A_593, %dma_start3A_599] : memref<819200x64xf32, #tpu.memory_space<hbm>> -> memref<128x64xf32, #tpu.memory_space<hbm>>
    %dma_start3A_601 = arith.constant 0 : i32
    %dma_start3A_602 = tpu.memref_slice %arg4[%add3A_593, %dma_start3A_601] : memref<819200x64xf32, #tpu.memory_space<hbm>> -> memref<128x64xf32, #tpu.memory_space<hbm>>
    %dma_start3A_603 = arith.constant 0 : i32
    %dma_start3A_604 = arith.constant 0 : i32
    %dma_start3A_605 = tpu.memref_slice %arg6[%dma_start3A_594, %dma_start3A_603, %dma_start3A_604] : memref<8x128x64xf32, #tpu.memory_space<vmem>> -> memref<1x128x64xf32, #tpu.memory_space<vmem>>
    %dma_start3A_606 = tpu.memref_squeeze %dma_start3A_605 : memref<1x128x64xf32, #tpu.memory_space<vmem>> -> memref<128x64xf32, #tpu.memory_space<vmem>>
    tpu.enqueue_dma source(%dma_start3A_606 : memref<128x64xf32, #tpu.memory_space<vmem>>) target(%dma_start3A_602 : memref<128x64xf32, #tpu.memory_space<hbm>>) target_semaphore(%arg12 : memref<!tpu.dma_semaphore, #tpu.memory_space<semaphore_mem>>)
    %dma_wait3A_607 = arith.constant 0 : i32
    %dma_wait3A_608 = arith.constant 6 : i32
    %dma_wait3A_609 = arith.constant 0 : i32
    %dma_wait3A_610 = arith.constant 0 : i32
    %dma_wait3A_611 = tpu.memref_slice %arg6[%dma_wait3A_608, %dma_wait3A_609, %dma_wait3A_610] : memref<8x128x64xf32, #tpu.memory_space<vmem>> -> memref<1x128x64xf32, #tpu.memory_space<vmem>>
    %dma_wait3A_612 = tpu.memref_squeeze %dma_wait3A_611 : memref<1x128x64xf32, #tpu.memory_space<vmem>> -> memref<128x64xf32, #tpu.memory_space<vmem>>
    %dma_wait3A_613 = arith.constant 0 : i32
    %dma_wait3A_614 = tpu.memref_slice %arg5[%dma_wait3A_607, %dma_wait3A_613] : memref<3x16384xi32, #tpu.memory_space<vmem>> -> memref<1x128xi32, #tpu.memory_space<vmem>>
    %dma_wait3A_615 = tpu.memref_squeeze %dma_wait3A_614 : memref<1x128xi32, #tpu.memory_space<vmem>> -> memref<128xi32, #tpu.memory_space<vmem>>
    %dma_wait3A_616 = arith.constant 0 : i32
    %dma_wait3A_617 = arith.constant 0 : i32
    %dma_wait3A_618 = tpu.memref_slice %arg2[%dma_wait3A_616, %dma_wait3A_617] : memref<1000000x64xf32, #tpu.memory_space<hbm>> -> memref<1000000x64xf32, #tpu.memory_space<hbm>>
    tpu.wait_indirect_dma semaphore(%arg13 : memref<!tpu.dma_semaphore, #tpu.memory_space<semaphore_mem>>) src(%dma_wait3A_618 : memref<1000000x64xf32, #tpu.memory_space<hbm>>) dst(%dma_wait3A_612 : memref<128x64xf32, #tpu.memory_space<vmem>>)
    %add3A_619 = arith.constant 25344 : i32
    %add3A_620 = arith.addi %mul3A_2, %add3A_619 : i32
    %dma_start3A_621 = arith.constant 6 : i32
    %dma_start3A_622 = arith.constant 0 : i32
    %dma_start3A_623 = arith.constant 0 : i32
    %dma_start3A_624 = tpu.memref_slice %arg6[%dma_start3A_621, %dma_start3A_622, %dma_start3A_623] : memref<8x128x64xf32, #tpu.memory_space<vmem>> -> memref<1x128x64xf32, #tpu.memory_space<vmem>>
    %dma_start3A_625 = tpu.memref_squeeze %dma_start3A_624 : memref<1x128x64xf32, #tpu.memory_space<vmem>> -> memref<128x64xf32, #tpu.memory_space<vmem>>
    %dma_start3A_626 = arith.constant 0 : i32
    %dma_start3A_627 = tpu.memref_slice %arg4[%add3A_620, %dma_start3A_626] : memref<819200x64xf32, #tpu.memory_space<hbm>> -> memref<128x64xf32, #tpu.memory_space<hbm>>
    %dma_start3A_628 = arith.constant 0 : i32
    %dma_start3A_629 = tpu.memref_slice %arg4[%add3A_620, %dma_start3A_628] : memref<819200x64xf32, #tpu.memory_space<hbm>> -> memref<128x64xf32, #tpu.memory_space<hbm>>
    %dma_start3A_630 = arith.constant 0 : i32
    %dma_start3A_631 = arith.constant 0 : i32
    %dma_start3A_632 = tpu.memref_slice %arg6[%dma_start3A_621, %dma_start3A_630, %dma_start3A_631] : memref<8x128x64xf32, #tpu.memory_space<vmem>> -> memref<1x128x64xf32, #tpu.memory_space<vmem>>
    %dma_start3A_633 = tpu.memref_squeeze %dma_start3A_632 : memref<1x128x64xf32, #tpu.memory_space<vmem>> -> memref<128x64xf32, #tpu.memory_space<vmem>>
    tpu.enqueue_dma source(%dma_start3A_633 : memref<128x64xf32, #tpu.memory_space<vmem>>) target(%dma_start3A_629 : memref<128x64xf32, #tpu.memory_space<hbm>>) target_semaphore(%arg13 : memref<!tpu.dma_semaphore, #tpu.memory_space<semaphore_mem>>)
    %dma_wait3A_634 = arith.constant 0 : i32
    %dma_wait3A_635 = arith.constant 7 : i32
    %dma_wait3A_636 = arith.constant 0 : i32
    %dma_wait3A_637 = arith.constant 0 : i32
    %dma_wait3A_638 = tpu.memref_slice %arg6[%dma_wait3A_635, %dma_wait3A_636, %dma_wait3A_637] : memref<8x128x64xf32, #tpu.memory_space<vmem>> -> memref<1x128x64xf32, #tpu.memory_space<vmem>>
    %dma_wait3A_639 = tpu.memref_squeeze %dma_wait3A_638 : memref<1x128x64xf32, #tpu.memory_space<vmem>> -> memref<128x64xf32, #tpu.memory_space<vmem>>
    %dma_wait3A_640 = arith.constant 0 : i32
    %dma_wait3A_641 = tpu.memref_slice %arg5[%dma_wait3A_634, %dma_wait3A_640] : memref<3x16384xi32, #tpu.memory_space<vmem>> -> memref<1x128xi32, #tpu.memory_space<vmem>>
    %dma_wait3A_642 = tpu.memref_squeeze %dma_wait3A_641 : memref<1x128xi32, #tpu.memory_space<vmem>> -> memref<128xi32, #tpu.memory_space<vmem>>
    %dma_wait3A_643 = arith.constant 0 : i32
    %dma_wait3A_644 = arith.constant 0 : i32
    %dma_wait3A_645 = tpu.memref_slice %arg2[%dma_wait3A_643, %dma_wait3A_644] : memref<1000000x64xf32, #tpu.memory_space<hbm>> -> memref<1000000x64xf32, #tpu.memory_space<hbm>>
    tpu.wait_indirect_dma semaphore(%arg14 : memref<!tpu.dma_semaphore, #tpu.memory_space<semaphore_mem>>) src(%dma_wait3A_645 : memref<1000000x64xf32, #tpu.memory_space<hbm>>) dst(%dma_wait3A_639 : memref<128x64xf32, #tpu.memory_space<vmem>>)
    %add3A_646 = arith.constant 25472 : i32
    %add3A_647 = arith.addi %mul3A_2, %add3A_646 : i32
    %dma_start3A_648 = arith.constant 7 : i32
    %dma_start3A_649 = arith.constant 0 : i32
    %dma_start3A_650 = arith.constant 0 : i32
    %dma_start3A_651 = tpu.memref_slice %arg6[%dma_start3A_648, %dma_start3A_649, %dma_start3A_650] : memref<8x128x64xf32, #tpu.memory_space<vmem>> -> memref<1x128x64xf32, #tpu.memory_space<vmem>>
    %dma_start3A_652 = tpu.memref_squeeze %dma_start3A_651 : memref<1x128x64xf32, #tpu.memory_space<vmem>> -> memref<128x64xf32, #tpu.memory_space<vmem>>
    %dma_start3A_653 = arith.constant 0 : i32
    %dma_start3A_654 = tpu.memref_slice %arg4[%add3A_647, %dma_start3A_653] : memref<819200x64xf32, #tpu.memory_space<hbm>> -> memref<128x64xf32, #tpu.memory_space<hbm>>
    %dma_start3A_655 = arith.constant 0 : i32
    %dma_start3A_656 = tpu.memref_slice %arg4[%add3A_647, %dma_start3A_655] : memref<819200x64xf32, #tpu.memory_space<hbm>> -> memref<128x64xf32, #tpu.memory_space<hbm>>
    %dma_start3A_657 = arith.constant 0 : i32
    %dma_start3A_658 = arith.constant 0 : i32
    %dma_start3A_659 = tpu.memref_slice %arg6[%dma_start3A_648, %dma_start3A_657, %dma_start3A_658] : memref<8x128x64xf32, #tpu.memory_space<vmem>> -> memref<1x128x64xf32, #tpu.memory_space<vmem>>
    %dma_start3A_660 = tpu.memref_squeeze %dma_start3A_659 : memref<1x128x64xf32, #tpu.memory_space<vmem>> -> memref<128x64xf32, #tpu.memory_space<vmem>>
    tpu.enqueue_dma source(%dma_start3A_660 : memref<128x64xf32, #tpu.memory_space<vmem>>) target(%dma_start3A_656 : memref<128x64xf32, #tpu.memory_space<hbm>>) target_semaphore(%arg14 : memref<!tpu.dma_semaphore, #tpu.memory_space<semaphore_mem>>)
    %dma_wait3A_661 = arith.constant 0 : i32
    %dma_wait3A_662 = arith.constant 0 : i32
    %dma_wait3A_663 = arith.constant 0 : i32
    %dma_wait3A_664 = tpu.memref_slice %arg6[%dma_wait3A_661, %dma_wait3A_662, %dma_wait3A_663] : memref<8x128x64xf32, #tpu.memory_space<vmem>> -> memref<1x128x64xf32, #tpu.memory_space<vmem>>
    %dma_wait3A_665 = tpu.memref_squeeze %dma_wait3A_664 : memref<1x128x64xf32, #tpu.memory_space<vmem>> -> memref<128x64xf32, #tpu.memory_space<vmem>>
    %dma_wait3A_666 = arith.constant 0 : i32
    %dma_wait3A_667 = tpu.memref_slice %arg4[%mul3A_2, %dma_wait3A_666] : memref<819200x64xf32, #tpu.memory_space<hbm>> -> memref<128x64xf32, #tpu.memory_space<hbm>>
    %dma_wait3A_668 = arith.constant 0 : i32
    %dma_wait3A_669 = tpu.memref_slice %arg4[%mul3A_2, %dma_wait3A_668] : memref<819200x64xf32, #tpu.memory_space<hbm>> -> memref<128x64xf32, #tpu.memory_space<hbm>>
    %dma_wait3A_670 = arith.constant 0 : i32
    %dma_wait3A_671 = arith.constant 0 : i32
    %dma_wait3A_672 = tpu.memref_slice %arg6[%dma_wait3A_661, %dma_wait3A_670, %dma_wait3A_671] : memref<8x128x64xf32, #tpu.memory_space<vmem>> -> memref<1x128x64xf32, #tpu.memory_space<vmem>>
    %dma_wait3A_673 = tpu.memref_squeeze %dma_wait3A_672 : memref<1x128x64xf32, #tpu.memory_space<vmem>> -> memref<128x64xf32, #tpu.memory_space<vmem>>
    tpu.wait_dma2 semaphore(%arg7 : memref<!tpu.dma_semaphore, #tpu.memory_space<semaphore_mem>>) src(%dma_wait3A_673 : memref<128x64xf32, #tpu.memory_space<vmem>>) dst(%dma_wait3A_669 : memref<128x64xf32, #tpu.memory_space<hbm>>)
    %dma_wait3A_674 = arith.constant 1 : i32
    %dma_wait3A_675 = arith.constant 0 : i32
    %dma_wait3A_676 = arith.constant 0 : i32
    %dma_wait3A_677 = tpu.memref_slice %arg6[%dma_wait3A_674, %dma_wait3A_675, %dma_wait3A_676] : memref<8x128x64xf32, #tpu.memory_space<vmem>> -> memref<1x128x64xf32, #tpu.memory_space<vmem>>
    %dma_wait3A_678 = tpu.memref_squeeze %dma_wait3A_677 : memref<1x128x64xf32, #tpu.memory_space<vmem>> -> memref<128x64xf32, #tpu.memory_space<vmem>>
    %dma_wait3A_679 = arith.constant 0 : i32
    %dma_wait3A_680 = tpu.memref_slice %arg4[%mul3A_2, %dma_wait3A_679] : memref<819200x64xf32, #tpu.memory_space<hbm>> -> memref<128x64xf32, #tpu.memory_space<hbm>>
    %dma_wait3A_681 = arith.constant 0 : i32
    %dma_wait3A_682 = tpu.memref_slice %arg4[%mul3A_2, %dma_wait3A_681] : memref<819200x64xf32, #tpu.memory_space<hbm>> -> memref<128x64xf32, #tpu.memory_space<hbm>>
    %dma_wait3A_683 = arith.constant 0 : i32
    %dma_wait3A_684 = arith.constant 0 : i32
    %dma_wait3A_685 = tpu.memref_slice %arg6[%dma_wait3A_674, %dma_wait3A_683, %dma_wait3A_684] : memref<8x128x64xf32, #tpu.memory_space<vmem>> -> memref<1x128x64xf32, #tpu.memory_space<vmem>>
    %dma_wait3A_686 = tpu.memref_squeeze %dma_wait3A_685 : memref<1x128x64xf32, #tpu.memory_space<vmem>> -> memref<128x64xf32, #tpu.memory_space<vmem>>
    tpu.wait_dma2 semaphore(%arg8 : memref<!tpu.dma_semaphore, #tpu.memory_space<semaphore_mem>>) src(%dma_wait3A_686 : memref<128x64xf32, #tpu.memory_space<vmem>>) dst(%dma_wait3A_682 : memref<128x64xf32, #tpu.memory_space<hbm>>)
    %dma_wait3A_687 = arith.constant 2 : i32
    %dma_wait3A_688 = arith.constant 0 : i32
    %dma_wait3A_689 = arith.constant 0 : i32
    %dma_wait3A_690 = tpu.memref_slice %arg6[%dma_wait3A_687, %dma_wait3A_688, %dma_wait3A_689] : memref<8x128x64xf32, #tpu.memory_space<vmem>> -> memref<1x128x64xf32, #tpu.memory_space<vmem>>
    %dma_wait3A_691 = tpu.memref_squeeze %dma_wait3A_690 : memref<1x128x64xf32, #tpu.memory_space<vmem>> -> memref<128x64xf32, #tpu.memory_space<vmem>>
    %dma_wait3A_692 = arith.constant 0 : i32
    %dma_wait3A_693 = tpu.memref_slice %arg4[%mul3A_2, %dma_wait3A_692] : memref<819200x64xf32, #tpu.memory_space<hbm>> -> memref<128x64xf32, #tpu.memory_space<hbm>>
    %dma_wait3A_694 = arith.constant 0 : i32
    %dma_wait3A_695 = tpu.memref_slice %arg4[%mul3A_2, %dma_wait3A_694] : memref<819200x64xf32, #tpu.memory_space<hbm>> -> memref<128x64xf32, #tpu.memory_space<hbm>>
    %dma_wait3A_696 = arith.constant 0 : i32
    %dma_wait3A_697 = arith.constant 0 : i32
    %dma_wait3A_698 = tpu.memref_slice %arg6[%dma_wait3A_687, %dma_wait3A_696, %dma_wait3A_697] : memref<8x128x64xf32, #tpu.memory_space<vmem>> -> memref<1x128x64xf32, #tpu.memory_space<vmem>>
    %dma_wait3A_699 = tpu.memref_squeeze %dma_wait3A_698 : memref<1x128x64xf32, #tpu.memory_space<vmem>> -> memref<128x64xf32, #tpu.memory_space<vmem>>
    tpu.wait_dma2 semaphore(%arg9 : memref<!tpu.dma_semaphore, #tpu.memory_space<semaphore_mem>>) src(%dma_wait3A_699 : memref<128x64xf32, #tpu.memory_space<vmem>>) dst(%dma_wait3A_695 : memref<128x64xf32, #tpu.memory_space<hbm>>)
    %dma_wait3A_700 = arith.constant 3 : i32
    %dma_wait3A_701 = arith.constant 0 : i32
    %dma_wait3A_702 = arith.constant 0 : i32
    %dma_wait3A_703 = tpu.memref_slice %arg6[%dma_wait3A_700, %dma_wait3A_701, %dma_wait3A_702] : memref<8x128x64xf32, #tpu.memory_space<vmem>> -> memref<1x128x64xf32, #tpu.memory_space<vmem>>
    %dma_wait3A_704 = tpu.memref_squeeze %dma_wait3A_703 : memref<1x128x64xf32, #tpu.memory_space<vmem>> -> memref<128x64xf32, #tpu.memory_space<vmem>>
    %dma_wait3A_705 = arith.constant 0 : i32
    %dma_wait3A_706 = tpu.memref_slice %arg4[%mul3A_2, %dma_wait3A_705] : memref<819200x64xf32, #tpu.memory_space<hbm>> -> memref<128x64xf32, #tpu.memory_space<hbm>>
    %dma_wait3A_707 = arith.constant 0 : i32
    %dma_wait3A_708 = tpu.memref_slice %arg4[%mul3A_2, %dma_wait3A_707] : memref<819200x64xf32, #tpu.memory_space<hbm>> -> memref<128x64xf32, #tpu.memory_space<hbm>>
    %dma_wait3A_709 = arith.constant 0 : i32
    %dma_wait3A_710 = arith.constant 0 : i32
    %dma_wait3A_711 = tpu.memref_slice %arg6[%dma_wait3A_700, %dma_wait3A_709, %dma_wait3A_710] : memref<8x128x64xf32, #tpu.memory_space<vmem>> -> memref<1x128x64xf32, #tpu.memory_space<vmem>>
    %dma_wait3A_712 = tpu.memref_squeeze %dma_wait3A_711 : memref<1x128x64xf32, #tpu.memory_space<vmem>> -> memref<128x64xf32, #tpu.memory_space<vmem>>
    tpu.wait_dma2 semaphore(%arg10 : memref<!tpu.dma_semaphore, #tpu.memory_space<semaphore_mem>>) src(%dma_wait3A_712 : memref<128x64xf32, #tpu.memory_space<vmem>>) dst(%dma_wait3A_708 : memref<128x64xf32, #tpu.memory_space<hbm>>)
    %dma_wait3A_713 = arith.constant 4 : i32
    %dma_wait3A_714 = arith.constant 0 : i32
    %dma_wait3A_715 = arith.constant 0 : i32
    %dma_wait3A_716 = tpu.memref_slice %arg6[%dma_wait3A_713, %dma_wait3A_714, %dma_wait3A_715] : memref<8x128x64xf32, #tpu.memory_space<vmem>> -> memref<1x128x64xf32, #tpu.memory_space<vmem>>
    %dma_wait3A_717 = tpu.memref_squeeze %dma_wait3A_716 : memref<1x128x64xf32, #tpu.memory_space<vmem>> -> memref<128x64xf32, #tpu.memory_space<vmem>>
    %dma_wait3A_718 = arith.constant 0 : i32
    %dma_wait3A_719 = tpu.memref_slice %arg4[%mul3A_2, %dma_wait3A_718] : memref<819200x64xf32, #tpu.memory_space<hbm>> -> memref<128x64xf32, #tpu.memory_space<hbm>>
    %dma_wait3A_720 = arith.constant 0 : i32
    %dma_wait3A_721 = tpu.memref_slice %arg4[%mul3A_2, %dma_wait3A_720] : memref<819200x64xf32, #tpu.memory_space<hbm>> -> memref<128x64xf32, #tpu.memory_space<hbm>>
    %dma_wait3A_722 = arith.constant 0 : i32
    %dma_wait3A_723 = arith.constant 0 : i32
    %dma_wait3A_724 = tpu.memref_slice %arg6[%dma_wait3A_713, %dma_wait3A_722, %dma_wait3A_723] : memref<8x128x64xf32, #tpu.memory_space<vmem>> -> memref<1x128x64xf32, #tpu.memory_space<vmem>>
    %dma_wait3A_725 = tpu.memref_squeeze %dma_wait3A_724 : memref<1x128x64xf32, #tpu.memory_space<vmem>> -> memref<128x64xf32, #tpu.memory_space<vmem>>
    tpu.wait_dma2 semaphore(%arg11 : memref<!tpu.dma_semaphore, #tpu.memory_space<semaphore_mem>>) src(%dma_wait3A_725 : memref<128x64xf32, #tpu.memory_space<vmem>>) dst(%dma_wait3A_721 : memref<128x64xf32, #tpu.memory_space<hbm>>)
    %dma_wait3A_726 = arith.constant 5 : i32
    %dma_wait3A_727 = arith.constant 0 : i32
    %dma_wait3A_728 = arith.constant 0 : i32
    %dma_wait3A_729 = tpu.memref_slice %arg6[%dma_wait3A_726, %dma_wait3A_727, %dma_wait3A_728] : memref<8x128x64xf32, #tpu.memory_space<vmem>> -> memref<1x128x64xf32, #tpu.memory_space<vmem>>
    %dma_wait3A_730 = tpu.memref_squeeze %dma_wait3A_729 : memref<1x128x64xf32, #tpu.memory_space<vmem>> -> memref<128x64xf32, #tpu.memory_space<vmem>>
    %dma_wait3A_731 = arith.constant 0 : i32
    %dma_wait3A_732 = tpu.memref_slice %arg4[%mul3A_2, %dma_wait3A_731] : memref<819200x64xf32, #tpu.memory_space<hbm>> -> memref<128x64xf32, #tpu.memory_space<hbm>>
    %dma_wait3A_733 = arith.constant 0 : i32
    %dma_wait3A_734 = tpu.memref_slice %arg4[%mul3A_2, %dma_wait3A_733] : memref<819200x64xf32, #tpu.memory_space<hbm>> -> memref<128x64xf32, #tpu.memory_space<hbm>>
    %dma_wait3A_735 = arith.constant 0 : i32
    %dma_wait3A_736 = arith.constant 0 : i32
    %dma_wait3A_737 = tpu.memref_slice %arg6[%dma_wait3A_726, %dma_wait3A_735, %dma_wait3A_736] : memref<8x128x64xf32, #tpu.memory_space<vmem>> -> memref<1x128x64xf32, #tpu.memory_space<vmem>>
    %dma_wait3A_738 = tpu.memref_squeeze %dma_wait3A_737 : memref<1x128x64xf32, #tpu.memory_space<vmem>> -> memref<128x64xf32, #tpu.memory_space<vmem>>
    tpu.wait_dma2 semaphore(%arg12 : memref<!tpu.dma_semaphore, #tpu.memory_space<semaphore_mem>>) src(%dma_wait3A_738 : memref<128x64xf32, #tpu.memory_space<vmem>>) dst(%dma_wait3A_734 : memref<128x64xf32, #tpu.memory_space<hbm>>)
    %dma_wait3A_739 = arith.constant 6 : i32
    %dma_wait3A_740 = arith.constant 0 : i32
    %dma_wait3A_741 = arith.constant 0 : i32
    %dma_wait3A_742 = tpu.memref_slice %arg6[%dma_wait3A_739, %dma_wait3A_740, %dma_wait3A_741] : memref<8x128x64xf32, #tpu.memory_space<vmem>> -> memref<1x128x64xf32, #tpu.memory_space<vmem>>
    %dma_wait3A_743 = tpu.memref_squeeze %dma_wait3A_742 : memref<1x128x64xf32, #tpu.memory_space<vmem>> -> memref<128x64xf32, #tpu.memory_space<vmem>>
    %dma_wait3A_744 = arith.constant 0 : i32
    %dma_wait3A_745 = tpu.memref_slice %arg4[%mul3A_2, %dma_wait3A_744] : memref<819200x64xf32, #tpu.memory_space<hbm>> -> memref<128x64xf32, #tpu.memory_space<hbm>>
    %dma_wait3A_746 = arith.constant 0 : i32
    %dma_wait3A_747 = tpu.memref_slice %arg4[%mul3A_2, %dma_wait3A_746] : memref<819200x64xf32, #tpu.memory_space<hbm>> -> memref<128x64xf32, #tpu.memory_space<hbm>>
    %dma_wait3A_748 = arith.constant 0 : i32
    %dma_wait3A_749 = arith.constant 0 : i32
    %dma_wait3A_750 = tpu.memref_slice %arg6[%dma_wait3A_739, %dma_wait3A_748, %dma_wait3A_749] : memref<8x128x64xf32, #tpu.memory_space<vmem>> -> memref<1x128x64xf32, #tpu.memory_space<vmem>>
    %dma_wait3A_751 = tpu.memref_squeeze %dma_wait3A_750 : memref<1x128x64xf32, #tpu.memory_space<vmem>> -> memref<128x64xf32, #tpu.memory_space<vmem>>
    tpu.wait_dma2 semaphore(%arg13 : memref<!tpu.dma_semaphore, #tpu.memory_space<semaphore_mem>>) src(%dma_wait3A_751 : memref<128x64xf32, #tpu.memory_space<vmem>>) dst(%dma_wait3A_747 : memref<128x64xf32, #tpu.memory_space<hbm>>)
    %dma_wait3A_752 = arith.constant 7 : i32
    %dma_wait3A_753 = arith.constant 0 : i32
    %dma_wait3A_754 = arith.constant 0 : i32
    %dma_wait3A_755 = tpu.memref_slice %arg6[%dma_wait3A_752, %dma_wait3A_753, %dma_wait3A_754] : memref<8x128x64xf32, #tpu.memory_space<vmem>> -> memref<1x128x64xf32, #tpu.memory_space<vmem>>
    %dma_wait3A_756 = tpu.memref_squeeze %dma_wait3A_755 : memref<1x128x64xf32, #tpu.memory_space<vmem>> -> memref<128x64xf32, #tpu.memory_space<vmem>>
    %dma_wait3A_757 = arith.constant 0 : i32
    %dma_wait3A_758 = tpu.memref_slice %arg4[%mul3A_2, %dma_wait3A_757] : memref<819200x64xf32, #tpu.memory_space<hbm>> -> memref<128x64xf32, #tpu.memory_space<hbm>>
    %dma_wait3A_759 = arith.constant 0 : i32
    %dma_wait3A_760 = tpu.memref_slice %arg4[%mul3A_2, %dma_wait3A_759] : memref<819200x64xf32, #tpu.memory_space<hbm>> -> memref<128x64xf32, #tpu.memory_space<hbm>>
    %dma_wait3A_761 = arith.constant 0 : i32
    %dma_wait3A_762 = arith.constant 0 : i32
    %dma_wait3A_763 = tpu.memref_slice %arg6[%dma_wait3A_752, %dma_wait3A_761, %dma_wait3A_762] : memref<8x128x64xf32, #tpu.memory_space<vmem>> -> memref<1x128x64xf32, #tpu.memory_space<vmem>>
    %dma_wait3A_764 = tpu.memref_squeeze %dma_wait3A_763 : memref<1x128x64xf32, #tpu.memory_space<vmem>> -> memref<128x64xf32, #tpu.memory_space<vmem>>
    tpu.wait_dma2 semaphore(%arg14 : memref<!tpu.dma_semaphore, #tpu.memory_space<semaphore_mem>>) src(%dma_wait3A_764 : memref<128x64xf32, #tpu.memory_space<vmem>>) dst(%dma_wait3A_760 : memref<128x64xf32, #tpu.memory_space<hbm>>)
    return
  }
}

</mosaic_0001>

<sc_bundles>
// kernel: kernel.3.cloned.1.call-start
scs
__scs_entry_jumppad:
0x0: {  	(pc) =	sbr.rel $0x88, $3  }
0x1: {  	(tag) =	ssettag $0x0;
	lr =	simm.s32 $0x1  }
0x2: {  	[smem:$0x3F9F] =	sst lr;
	_ =	strace $0xD0000000  }
0x3: {  	_ = 	snop  }
0x4: {  	_ = 	snop  }
0x5: {  	_ = 	snop  }
0x6: {  	_ = 	snop  }
0x7: {  	_ = 	snop  }
__scs_overlays_trampoline_lowered:
0x8: {  	[smem:$0x3FAE] =	sst s0  }
0x9: {  	[smem:$0x3FAF] =	sst s1  }
0xa: {  	[smem:$0x3FB0] =	sst s2  }
0xb: {  	[smem:$0x3FB1] =	sst s3  }
0xc: {  	[smem:$0x3FB2] =	sst s4  }
0xd: {  	[smem:$0x3FB3] =	sst s5  }
0xe: {  	[smem:$0x3FB4] =	sst s6  }
0xf: {  	[smem:$0x3FB5] =	sst s7  }
0x10: {  	[smem:$0x3FB6] =	sst s8  }
0x11: {  	[smem:$0x3FB7] =	sst s9;
	s0 =	simm.s32 @!p0 $0x0  }
0x12: {  	s1 =	sld [smem:$0x3F9D];
	s0 =	simm.s32 @p0 $0x1  }
0x13: {  	[smem:$0x3FB8] =	sst s0;
	s0 =	simm.s32 @!p1 $0x0  }
0x14: {  	s2 =	sld [smem:$0x3F9C];
	s0 =	simm.s32 @p1 $0x1  }
0x15: {  	[smem:$0x3FB9] =	sst s0;
	s0 =	simm.s32 @!p2 $0x0  }
0x16: {  	s3 =	sld [smem:$0x3FDB];
	s0 =	simm.s32 @p2 $0x1  }
0x17: {  	s4 =	simm.s32 $0x1BF5;
	[smem:$0x3FBB] =	sst s0  }
0x18: {  	s0 =	sld [smem:$0x3F9E];
	_ =	swait.ge [sflag:s4], $0x0  }
0x19: {  	s7 =	sld [smem:$0x3F9F]  }
0x1a: {  	s8 =	sadd.s32 $0xFFFFE003, lr  }
0x1b: {  	s9 =	sadd.s32 $0xFFFFFEF7, lr;
	s5 =	simm.s32 $0xFFFFFFFF;
	p2 =	slt.u32 s8, $0xFFFFF086  }
0x1c: {  	p1 =	slt.u32 s9, $0xF7A;
	s5 =	simm.s32 @!p2 $0x0  }
0x1d: {  	s5 =	simm.s32 @p1 $0x1;
	p0 =	seq.s32 s7, s2  }
0x1e: {  	s7 =	smul.u32 @!p0 $0xF7A, s2;
	p2 =	seq.s32 @!p0 s5, $0x0  }
0x1f: {  	s9 =	smul.u32 $0xF7A, s1;
	s8 =	simm.s32 @!p0 $0x1BF5;
	p2 =	por !p2, p0  }
0x20: {  	[sflag:s8] =	ssyncset.s32 @!p0 $0xFFFFF086;
	s6 =	sadd.s32 @!p0 s3, s7;
	s7 =	simm.s32 @!p0 $0x108  }
0x21: {  	s3 =	sadd.s32 s3, s9;
	s6 =	sadd.s32 @!p0 $0x88, s6;
	s7 =	simm.s32 @p2 $0x1082  }
0x22: {  	[simem:s7], [sflag:s8] =	dma.local @!p0 [hbm:s6], $0xF7A  }
0x23: {  	s9 =	sor.u32 $0xD0000000, s2;
	s6 =	simm.s32 $0x108;
	_ =	swait.ge @!p0 [sflag:s8], $0x0  }
0x24: {  	s3 =	sadd.s32 $0x88, s3;
	s6 =	simm.s32 @!p1 $0x1082;
	[sflag:s4] =	ssyncset.s32 $0xFFFFF086  }
0x25: {  	[simem:s6], [sflag:s4] =	dma.local [hbm:s3], $0xF7A  }
0x26: {  	[smem:$0x3F9F] =	sst s1;
	(tag) =	ssettag s2;
	_ =	strace s9  }
0x27: {  	s1 =	sld [smem:$0x3FAF]  }
0x28: {  	s2 =	sld [smem:$0x3FB0]  }
0x29: {  	s4 =	sld [smem:$0x3FB2]  }
0x2a: {  	p0 =	seq.s32 s5, $0x0;
	s5 =	sld [smem:$0x3FB3]  }
0x2b: {  	s6 =	sld [smem:$0x3FB4]  }
0x2c: {  	s7 =	sld [smem:$0x3FB5]  }
0x2d: {  	s3 =	simm.s32 $0x108;
	s8 =	sld [smem:$0x3FB6]  }
0x2e: {  	s3 =	simm.s32 @!p0 $0x1082;
	s9 =	sld [smem:$0x3FB7]  }
0x2f: {  	lr =	sadd.s32 s0, s3;
	s0 =	sld [smem:$0x3FAE]  }
0x30: {  	s3 =	sld [smem:$0x3FB1]  }
0x31: {  	[smem:$0x3FBA] =	sst s10  }
0x32: {  	s10 =	sld [smem:$0x3FB8];
	_ =	sdelay $0x3  }
0x33: {  	p0 =	seq.s32 s10, $0x1;
	s10 =	sld [smem:$0x3FBA];
	_ =	sdelay $0x3  }
0x34: {  	[smem:$0x3FBA] =	sst s10  }
0x35: {  	s10 =	sld [smem:$0x3FB9];
	_ =	sdelay $0x3  }
0x36: {  	p1 =	seq.s32 s10, $0x1;
	s10 =	sld [smem:$0x3FBA];
	_ =	sdelay $0x3  }
0x37: {  	[smem:$0x3FBA] =	sst s10  }
0x38: {  	s10 =	sld [smem:$0x3FBB]  }
0x39: {  	_ = 	snop;
	(pc) =	sbr.ind lr, $3  }
0x3a: {  	_ = 	snop  }
0x3b: {  	_ = 	snop  }
0x3c: {  	p2 =	seq.s32 s10, $0x1;
	s10 =	sld [smem:$0x3FBA]  }
0x3d: {  	_ =	shalt  }
0x3e: {  	_ =	shalt  }
0x3f: {  	_ =	shalt  }
0x40: {  	_ =	shalt  }
0x41: {  	_ =	shalt  }
0x42: {  	_ =	shalt  }
0x43: {  	_ =	shalt  }
0x44: {  	_ =	shalt  }
0x45: {  	_ =	shalt  }
0x46: {  	_ =	shalt  }
0x47: {  	_ =	shalt  }
0x48: {  	_ =	shalt  }
0x49: {  	_ =	shalt  }
0x4a: {  	_ =	shalt  }
0x4b: {  	_ =	shalt  }
0x4c: {  	_ =	shalt  }
0x4d: {  	_ =	shalt  }
0x4e: {  	_ =	shalt  }
0x4f: {  	_ =	shalt  }
0x50: {  	_ =	shalt  }
0x51: {  	_ =	shalt  }
0x52: {  	_ =	shalt  }
0x53: {  	_ =	shalt  }
0x54: {  	_ =	shalt  }
0x55: {  	_ =	shalt  }
0x56: {  	_ =	shalt  }
0x57: {  	_ =	shalt  }
0x58: {  	_ =	shalt  }
0x59: {  	_ =	shalt  }
0x5a: {  	_ =	shalt  }
0x5b: {  	_ =	shalt  }
0x5c: {  	_ =	shalt  }
0x5d: {  	_ =	shalt  }
0x5e: {  	_ =	shalt  }
0x5f: {  	_ =	shalt  }
0x60: {  	_ =	shalt  }
0x61: {  	_ =	shalt  }
0x62: {  	_ =	shalt  }
0x63: {  	_ =	shalt  }
0x64: {  	_ =	shalt  }
0x65: {  	_ =	shalt  }
0x66: {  	_ =	shalt  }
0x67: {  	_ =	shalt  }
0x68: {  	_ =	shalt  }
0x69: {  	_ =	shalt  }
0x6a: {  	_ =	shalt  }
0x6b: {  	_ =	shalt  }
0x6c: {  	_ =	shalt  }
0x6d: {  	_ =	shalt  }
0x6e: {  	_ =	shalt  }
0x6f: {  	_ =	shalt  }
0x70: {  	_ =	shalt  }
0x71: {  	_ =	shalt  }
0x72: {  	_ =	shalt  }
0x73: {  	_ =	shalt  }
0x74: {  	_ =	shalt  }
0x75: {  	_ =	shalt  }
0x76: {  	_ =	shalt  }
0x77: {  	_ =	shalt  }
0x78: {  	_ =	shalt  }
0x79: {  	_ =	shalt  }
0x7a: {  	_ =	shalt  }
0x7b: {  	_ =	shalt  }
0x7c: {  	_ =	shalt  }
0x7d: {  	_ =	shalt  }
0x7e: {  	_ =	shalt  }
0x7f: {  	_ =	shalt  }
0x80: {  	_ =	shalt  }
0x81: {  	_ =	shalt  }
0x82: {  	_ =	shalt  }
0x83: {  	_ =	shalt  }
0x84: {  	_ =	shalt  }
0x85: {  	_ =	shalt  }
0x86: {  	_ =	shalt  }
0x87: {  	_ =	shalt  }
.Lfunc_end0:
.L_simem_size_0:
called_computation.1_lowered:
.L_overlay_start_0:
0x88: {  	s2 =	sld [smem:$0x3FD9]  }
0x89: {  	s3 =	sld [smem:$0x3FFE];
	_ =	sdelay $0x1  }
0x8a: {  	s1 =	srdreg.scid  }
0x8b: {  	s0 =	sand.u32 $0x1, s1  }
0x8c: {  	s17 =	sshll.u32 s0, $0xA;
	s2 =	sadd.s32 s3, s2  }
0x8d: {  	s2 =	sadd.s32 s2, s17  }
0x8e: {  	[smem:$0x3FC6] =	sst s2  }
0x8f: {  	_ = 	snop  }
0x90: {  	s2 =	sld [smem:$0x3FD0];
	(tm) =	ssettm $0x1  }
0x91: {  	s18 =	sld [smem:$0x3FFB];
	_ =	sdelay $0x3  }
0x92: {  	_ =	strace s18  }
0x93: {  	s3 =	sld [smem:$0x3FFC];
	_ =	sdelay $0x3  }
0x94: {  	_ =	strace s3  }
0x95: {  	s3 =	sld [smem:$0x3FFD];
	_ =	sdelay $0x3  }
0x96: {  	_ =	strace s3  }
0x97: {  	_ =	strace $0x8FFFFFFF  }
0x98: {  	s19 =	sld [smem:$0x3FDB];
	_ =	sdelay $0x1  }
0x99: {  	s4 =	simm.s32 $_scs_section_size  }
0x9a: {  	s5 =	simm.s32 $_size__tile_overlayer_lowered;
	s6 =	simm.s32 $_tile_overlayer_lowered  }
0x9b: {  	s22 =	simm.s32 $0x1BFF;
	s21 =	sshll.u32 s6, $0x1;
	s3 =	sadd.s32 s4, s19  }
0x9c: {  	s7 =	simm.s32 $0x0;
	s20 =	sshll.u32 s5, $0x1;
	s5 =	sadd.s32 s21, s3  }
0x9d: {  	[timem:s7], [sflag:s22] =	dma.local [hbm:s5], s20  }
0x9e: {  	_ =	swait.ge [sflag:s22], s20  }
0x9f: {  	s4 =	ssub.s32 $0x0, s20;
	[sflag:s22] =	ssyncset.done $0x0  }
0xa0: {  	[sflag:s22] =	ssyncadd.s32 s4;
	_ =	sdelay $0x1  }
0xa1: {  	s23 =	simm.s32 $0x1B8B  }
0xa2: {  	_ =	swait.ge [sflag:s23], $0x1  }
0xa3: {  	[sflag:s23] =	ssyncset.done $0x0  }
0xa4: {  	s25 =	simm.s32 $0x1B8E;
	s24 =	sld [smem:$0x3FFE];
	[sflag:s23] =	ssyncadd.s32 $0xFFFFFFFF  }
0xa5: {  	s26 =	simm.s32 $execute0_lowered;
	[smem:$0x3FD2] =	sst s25  }
0xa6: {  	s5 =	sshll.u32 s26, $0x1;
	_ =	strace $0x80000046;
	[dreg:$0x1] =	wrdreg $0xFFFFFFFF  }
0xa7: {  	s28 =	simm.s32 $_size_execute0_lowered;
	s3 =	sadd.s32 s3, s5;
	[dreg:$0x0] =	wrdreg $0x0  }
0xa8: {  	s5 =	sshll.u32 s28, $0x1;
	[dreg:$0x2] =	wrdreg s3  }
0xa9: {  	[dreg:$0x3] =	wrdreg s5  }
0xaa: {  	[dreg:$0x4] =	wrdreg $0xC0  }
0xab: {  	_ =	task [dreg:s7], $0x5FFFF  }
0xac: {  	[dreg:$0x1] =	wrdreg $0xFFFFFFFF  }
0xad: {  	[dreg:$0x0] =	wrdreg $0x60  }
0xae: {  	[dreg:$0x2] =	wrdreg s24  }
0xaf: {  	[dreg:$0x3] =	wrdreg s2  }
0xb0: {  	[dreg:$0x4] =	wrdreg $0x9  }
0xb1: {  	_ =	task.clear_ibuf [dreg:s7], $0x5FFFF;
	_ =	strace $0x90000046  }
0xb2: {  	s29 =	simm.s32 $0x9;
	_ =	strace $0x80000048  }
0xb3: {  	_ =	swait.ge [sflag:s29], $0x1  }
0xb4: {  	[sflag:s29] =	ssyncadd.s32 $0xFFFFFFFF  }
0xb5: {  	_ =	strace $0x90000048  }
0xb6: {  	_ =	sfence  }
0xb7: {  	s30 =	sld [smem:$0x0];
	_ =	sdelay $0x2  }
0xb8: {  	s31 =	sshll.u32 s1, $0xD;
	s1 =	sshrl.u32 s1, $0x2  }
0xb9: {  	s3 =	sand.u32 $0x4000, s31;
	s1 =	sadd.s32 s1, s30  }
0xba: {  	s0 =	sor.u32 s3, s0;
	s1 =	sshll.u32 s1, $0x11  }
0xbb: {  	s0 =	sor.u32 s1, s0  }
0xbc: {  	s0 =	sadd.s32 $0x8F2B, s0  }
0xbd: {  	[sflag:s0] =	ssyncadd.remote.s32 $0x1  }
0xbe: {  	_ =	sfence.sel $0xFFFF  }
0xbf: {  	[dreg:$0x0] =	wrdreg $0xFFFFFFFF;
	(pc) =	sbr.abs _section_cstart, $3  }
0xc0: {  	[dreg:$0x1] =	wrdreg $0xFFFFFFFF  }
0xc1: {  	_ =	task.clear_ibuf [dreg:s7], $0x2FFFF;
	_ =	strace $0x9FFFFFFF  }
0xc2: {  	(tm) =	ssettm $0x7FFFFFFF  }
0xc3: {  	_ =	shalt  }
tec
execute0_lowered:
.L_overlay_start_1:
0x0: {  	(tag) =	ssettag $0x1  }
0x1: {  	s0 =	srdreg.scid;
	s12 =	stileid.u32  }
0x2: {  	s0 =	sand.u32 $0x1, s0;
	s2 =	sshll.u32 s12, $0x1  }
0x3: {  	s1 =	rddreg [dreg:$0x0];
	s2 =	sor.u32 s0, s2  }
0x4: {  	s13 =	rddreg [dreg:$0x1];
	s3 =	simm.s32 $0x0;
	s6 =	smul.u32 $0x6400, s2  }
0x5: {  	[smem:$0x7FF] =	sst s3;
	s4 =	sadd.s32 $0xF42E00, s1;
	s22 =	smul.u32 $0x32000, s2  }
0x6: {  	_ =	strace $0x80000047;
	s2 =	smul.u32 $0x190000, s2;
	s7 =	sshrl.u32 s6, $0xE  }
0x7: {  	s18 =	sand.u32 $0x3C00, s6;
	s19 =	sor.u32 $0x80, s6;
	s21 =	sor.u32 $0x100, s6  }
0x8: {  	s6 =	sor.u32 $0x180, s6;
	s24 =	sadd.s32 s13, s22;
	s2 =	sshrl.u32 s2, $0x3  }
0x9: {  	s5 =	smin.u32 s7, $0x2F;
	s20 =	sand.u32 $0x3C80, s19;
	s23 =	sand.u32 $0x3D80, s6  }
0xa: {  	[dreg:$0x10] =	wrdreg s24;
	s6 =	sshll.u32 s6, $0x3;
	s2 =	sadd.s32 s13, s2  }
0xb: {  	s9 =	sshll.u32 s5, $0xB;
	s7 =	ssub.s32 s7, s5;
	s6 =	sadd.s32 s13, s6  }
0xc: {  	s22 =	sadd.s32 $0x31000, s2;
	s24 =	sadd.s32 $0x31800, s2;
	[dreg:$0x16] =	wrdreg s6  }
0xd: {  	s1 =	sadd.s32 s9, s1;
	s7 =	sshll.u32 s7, $0x10;
	[dreg:$0x18] =	wrdreg s22  }
0xe: {  	[dreg:$0x1a] =	wrdreg s24;
	s7 =	sshra.s32 s7, $0x2;
	s1 =	sadd.s32 $0xA00, s1  }
0xf: {  	s11 =	sand.u32 $0x3D00, s21;
	[dreg:$0xb] =	wrdreg s1;
	s1 =	sor.u32 s20, s7  }
0x10: {  	s11 =	sor.u32 s11, s7;
	[dreg:$0xd] =	wrdreg s1  }
0x11: {  	s14 =	sor.u32 s18, s7;
	s7 =	sor.u32 s23, s7;
	[dreg:$0xe] =	wrdreg s11  }
0x12: {  	s12 =	smul.u32 $0xC800, s12;
	[dreg:$0xf] =	wrdreg s7  }
0x13: {  	s8 =	ssub.s32 $0x2, s0;
	s23 =	sadd.s32 $0x31400, s2;
	[dreg:$0xc] =	wrdreg s14  }
0x14: {  	s25 =	sshll.u32 s19, $0x3;
	s26 =	sor.u32 $0x200, s14;
	[dreg:$0x19] =	wrdreg s23  }
0x15: {  	s0 =	smul.u32 $0x6400, s0;
	s7 =	sadd.s32 s13, s25;
	[dreg:$0x11] =	wrdreg s26  }
0x16: {  	s10 =	sshrl.u32 s8, $0x1;
	s31 =	sor.u32 $0x280, s14;
	[dreg:$0x12] =	wrdreg s7  }
0x17: {  	s8 =	ssub.s32 s8, s10;
	s10 =	sor.u32 $0x300, s14;
	[dreg:$0x13] =	wrdreg s31  }
0x18: {  	s20 =	sadd.s32 s0, s12;
	s17 =	sor.u32 $0x380, s14;
	[dreg:$0x15] =	wrdreg s10  }
0x19: {  	s9 =	sshll.u32 s20, $0x3;
	s25 =	sadd.s32 $0x31C00, s2;
	[dreg:$0x17] =	wrdreg s17  }
0x1a: {  	s11 =	sadd.s32 $0x2C00, s9;
	[dreg:$0x1b] =	wrdreg s25  }
0x1b: {  	s28 =	simm.s32 $0xE000;
	s12 =	sor.u32 $0x1C00, s9;
	[dreg:$0x3] =	wrdreg s11  }
0x1c: {  	s30 =	simm.s32 $0x10000;
	s15 =	sadd.s32 $0x2800, s9;
	[dreg:$0x4] =	wrdreg s12  }
0x1d: {  	s29 =	simm.s32 $0x12000;
	s16 =	sor.u32 $0x1800, s9;
	[dreg:$0x5] =	wrdreg s15  }
0x1e: {  	s1 =	simm.s32 $0x0;
	s18 =	sadd.s32 $0x2400, s9;
	[dreg:$0x6] =	wrdreg s16  }
0x1f: {  	s7 =	sshll.u32 s21, $0x3;
	s19 =	sor.u32 $0x1400, s9;
	[dreg:$0x7] =	wrdreg s18  }
0x20: {  	s21 =	sadd.s32 $0x2000, s9;
	s26 =	sor.u32 $0x1000, s9;
	[dreg:$0x8] =	wrdreg s19  }
0x21: {  	s31 =	smax.u32 s8, $0x1;
	s25 =	simm.s32 $0xC000;
	[dreg:$0x9] =	wrdreg s21  }
0x22: {  	s17 =	simm.s32 $0x8;
	s0 =	sadd.s32 s13, s7;
	[dreg:$0x1c] =	wrdreg s31  }
0x23: {  	[dreg:$0xa] =	wrdreg s26;
	s26 =	simm.s32 $0x80;
	s13 =	simm.s32 $0x5  }
0x24: {  	s15 =	simm.s32 $0x6;
	s16 =	simm.s32 $0x7;
	[dreg:$0x14] =	wrdreg s0  }
.LBB2_1:
0x25: {  	[dreg:$0x1d] =	wrdreg s1  }
0x26: {  	s2 =	rddreg [dreg:$0xb];
	s0 =	simm.s32 $0x9  }
0x27: {  	[tilespmem:s3], [sflag:$0x9] =	stream.linear.gather [hbm4b:s2+s3], $0xC000, $0x38;
	[tilespmem:$0x1C000] =	vst v63  }
0x28: {  	_ =	swait.ge [sflag:s0], $0xC000  }
0x29: {  	[sflag:s0] =	ssyncset.done $0x0  }
0x2a: {  	s21 =	rddreg [dreg:$0xc];
	[sflag:s0] =	ssyncadd.s32 $0xFFFF4000  }
0x2b: {  	[tilespmem:s25], [sflag:$0x1] =	stream.indirect.gather [hbm4b:s4+s26], $0x40, s21, s26, $0xb8;
	[tilespmem:$0x1C000] =	vst v63  }
0x2c: {  	s22 =	rddreg [dreg:$0xd]  }
0x2d: {  	[tilespmem:s28], [sflag:$0x2] =	stream.indirect.gather [hbm4b:s4+s26], $0x40, s22, s26, $0xb8;
	[tilespmem:$0x1C000] =	vst v63  }
0x2e: {  	s23 =	rddreg [dreg:$0xe]  }
0x2f: {  	[tilespmem:s30], [sflag:$0x3] =	stream.indirect.gather [hbm4b:s4+s26], $0x40, s23, s26, $0xb8;
	[tilespmem:$0x1C000] =	vst v63  }
0x30: {  	s6 =	simm.s32 $0x1;
	s24 =	rddreg [dreg:$0xf]  }
0x31: {  	[tilespmem:s29], [sflag:$0x4] =	stream.indirect.gather [hbm4b:s4+s26], $0x40, s24, s26, $0xb8;
	[tilespmem:$0x1C000] =	vst v63  }
0x32: {  	_ =	swait.ge [sflag:s6], $0x2000  }
0x33: {  	[sflag:s6] =	ssyncset.done $0x0  }
0x34: {  	s31 =	rddreg [dreg:$0x10];
	[sflag:s6] =	ssyncadd.s32 $0xFFFFE000  }
0x35: {  	[hbm4b:s31+s3] =	stream.linear.scatter [tilespmem:s25], [sflag:$0x1], $0x2000, $0x38;
	[tilespmem:$0x1C000] =	vst v63  }
0x36: {  	s8 =	simm.s32 $0x14000;
	s12 =	simm.s32 $0x2;
	s0 =	rddreg [dreg:$0x11]  }
0x37: {  	[tilespmem:s8], [sflag:$0x5] =	stream.indirect.gather [hbm4b:s4+s26], $0x40, s0, s26, $0xb8;
	[tilespmem:$0x1C000] =	vst v63  }
0x38: {  	_ =	swait.ge [sflag:s12], $0x2000  }
0x39: {  	[sflag:s12] =	ssyncset.done $0x0  }
0x3a: {  	s1 =	rddreg [dreg:$0x12];
	[sflag:s12] =	ssyncadd.s32 $0xFFFFE000  }
0x3b: {  	[hbm4b:s1+s3] =	stream.linear.scatter [tilespmem:s28], [sflag:$0x2], $0x2000, $0x38;
	[tilespmem:$0x1C000] =	vst v63  }
0x3c: {  	s10 =	simm.s32 $0x16000;
	s9 =	simm.s32 $0x3;
	s2 =	rddreg [dreg:$0x13]  }
0x3d: {  	[tilespmem:s10], [sflag:$0x6] =	stream.indirect.gather [hbm4b:s4+s26], $0x40, s2, s26, $0xb8;
	[tilespmem:$0x1C000] =	vst v63  }
0x3e: {  	_ =	swait.ge [sflag:s9], $0x2000  }
0x3f: {  	[sflag:s9] =	ssyncset.done $0x0  }
0x40: {  	s7 =	rddreg [dreg:$0x14];
	[sflag:s9] =	ssyncadd.s32 $0xFFFFE000  }
0x41: {  	[hbm4b:s7+s3] =	stream.linear.scatter [tilespmem:s30], [sflag:$0x3], $0x2000, $0x38;
	[tilespmem:$0x1C000] =	vst v63  }
0x42: {  	s19 =	simm.s32 $0x18000;
	s11 =	rddreg [dreg:$0x15]  }
0x43: {  	[tilespmem:s19], [sflag:$0x7] =	stream.indirect.gather [hbm4b:s4+s26], $0x40, s11, s26, $0xb8;
	[tilespmem:$0x1C000] =	vst v63  }
0x44: {  	s11 =	simm.s32 $0x4  }
0x45: {  	_ =	swait.ge [sflag:s11], $0x2000  }
0x46: {  	[sflag:s11] =	ssyncset.done $0x0  }
0x47: {  	s14 =	rddreg [dreg:$0x16];
	[sflag:s11] =	ssyncadd.s32 $0xFFFFE000  }
0x48: {  	[hbm4b:s14+s3] =	stream.linear.scatter [tilespmem:s29], [sflag:$0x4], $0x2000, $0x38;
	[tilespmem:$0x1C000] =	vst v63  }
0x49: {  	s1 =	simm.s32 $0x1A000;
	s18 =	rddreg [dreg:$0x17]  }
0x4a: {  	[tilespmem:s1], [sflag:$0x8] =	stream.indirect.gather [hbm4b:s4+s26], $0x40, s18, s26, $0xb8;
	[tilespmem:$0x1C000] =	vst v63  }
0x4b: {  	_ =	swait.ge [sflag:s13], $0x2000  }
0x4c: {  	[sflag:s13] =	ssyncset.done $0x0  }
0x4d: {  	s2 =	sadd.s32 $0x0, s20;
	s7 =	rddreg [dreg:$0xa];
	[sflag:s13] =	ssyncadd.s32 $0xFFFFE000  }
0x4e: {  	s14 =	sadd.s32 $0x400, s2;
	s18 =	rddreg [dreg:$0x1]  }
0x4f: {  	s21 =	sshrl.u32 s14, $0xE;
	s7 =	sadd.s32 s18, s7  }
0x50: {  	[hbm4b:s7+s3] =	stream.linear.scatter [tilespmem:s8], [sflag:$0x5], $0x2000, $0x38;
	[tilespmem:$0x1C000] =	vst v63  }
0x51: {  	s7 =	ssub.s32 s21, s5  }
0x52: {  	_ =	swait.ge [sflag:s6], $0x2000;
	s7 =	sshll.u32 s7, $0x10  }
0x53: {  	s14 =	sand.u32 $0x3C00, s14;
	[sflag:s6] =	ssyncset.done $0x0;
	s7 =	sshra.s32 s7, $0x2  }
0x54: {  	[sflag:s6] =	ssyncadd.s32 $0xFFFFE000;
	s7 =	sor.u32 s14, s7  }
0x55: {  	[tilespmem:s25], [sflag:$0x1] =	stream.indirect.gather [hbm4b:s4+s26], $0x40, s7, s26, $0xb8;
	[tilespmem:$0x1C000] =	vst v63  }
0x56: {  	_ =	swait.ge [sflag:s15], $0x2000  }
0x57: {  	s23 =	sadd.s32 $0x480, s2;
	s22 =	rddreg [dreg:$0x8];
	[sflag:s15] =	ssyncset.done $0x0  }
0x58: {  	s24 =	sshrl.u32 s23, $0xE;
	[sflag:s15] =	ssyncadd.s32 $0xFFFFE000;
	s7 =	sadd.s32 s18, s22  }
0x59: {  	[hbm4b:s7+s3] =	stream.linear.scatter [tilespmem:s10], [sflag:$0x6], $0x2000, $0x38;
	[tilespmem:$0x1C000] =	vst v63  }
0x5a: {  	s7 =	ssub.s32 s24, s5  }
0x5b: {  	s7 =	sshll.u32 s7, $0x10;
	_ =	swait.ge [sflag:s12], $0x2000  }
0x5c: {  	s14 =	sand.u32 $0x3C80, s23;
	s7 =	sshra.s32 s7, $0x2;
	[sflag:s12] =	ssyncset.done $0x0  }
0x5d: {  	s7 =	sor.u32 s14, s7;
	[sflag:s12] =	ssyncadd.s32 $0xFFFFE000  }
0x5e: {  	[tilespmem:s28], [sflag:$0x2] =	stream.indirect.gather [hbm4b:s4+s26], $0x40, s7, s26, $0xb8;
	[tilespmem:$0x1C000] =	vst v63  }
0x5f: {  	_ =	swait.ge [sflag:s16], $0x2000  }
0x60: {  	s0 =	sadd.s32 $0x500, s2;
	s31 =	rddreg [dreg:$0x6];
	[sflag:s16] =	ssyncset.done $0x0  }
0x61: {  	s21 =	sshrl.u32 s0, $0xE;
	[sflag:s16] =	ssyncadd.s32 $0xFFFFE000;
	s7 =	sadd.s32 s18, s31  }
0x62: {  	[hbm4b:s7+s3] =	stream.linear.scatter [tilespmem:s19], [sflag:$0x7], $0x2000, $0x38;
	[tilespmem:$0x1C000] =	vst v63  }
0x63: {  	s7 =	ssub.s32 s21, s5  }
0x64: {  	s7 =	sshll.u32 s7, $0x10;
	_ =	swait.ge [sflag:s9], $0x2000  }
0x65: {  	s14 =	sand.u32 $0x3D00, s0;
	s7 =	sshra.s32 s7, $0x2;
	[sflag:s9] =	ssyncset.done $0x0  }
0x66: {  	s7 =	sor.u32 s14, s7;
	[sflag:s9] =	ssyncadd.s32 $0xFFFFE000  }
0x67: {  	[tilespmem:s30], [sflag:$0x3] =	stream.indirect.gather [hbm4b:s4+s26], $0x40, s7, s26, $0xb8;
	[tilespmem:$0x1C000] =	vst v63  }
0x68: {  	_ =	swait.ge [sflag:s17], $0x2000  }
0x69: {  	s23 =	sadd.s32 $0x580, s2;
	s22 =	rddreg [dreg:$0x4];
	[sflag:s17] =	ssyncset.done $0x0  }
0x6a: {  	s24 =	sshrl.u32 s23, $0xE;
	[sflag:s17] =	ssyncadd.s32 $0xFFFFE000;
	s7 =	sadd.s32 s18, s22  }
0x6b: {  	[hbm4b:s7+s3] =	stream.linear.scatter [tilespmem:s1], [sflag:$0x8], $0x2000, $0x38;
	[tilespmem:$0x1C000] =	vst v63  }
0x6c: {  	s7 =	ssub.s32 s24, s5  }
0x6d: {  	s7 =	sshll.u32 s7, $0x10;
	_ =	swait.ge [sflag:s11], $0x2000  }
0x6e: {  	s14 =	sand.u32 $0x3D80, s23;
	s7 =	sshra.s32 s7, $0x2;
	[sflag:s11] =	ssyncset.done $0x0  }
0x6f: {  	s7 =	sor.u32 s14, s7;
	[sflag:s11] =	ssyncadd.s32 $0xFFFFE000  }
0x70: {  	[tilespmem:s29], [sflag:$0x4] =	stream.indirect.gather [hbm4b:s4+s26], $0x40, s7, s26, $0xb8;
	[tilespmem:$0x1C000] =	vst v63  }
0x71: {  	_ =	swait.ge [sflag:s6], $0x2000  }
0x72: {  	s0 =	sadd.s32 $0x600, s2;
	s31 =	rddreg [dreg:$0x9];
	[sflag:s6] =	ssyncset.done $0x0  }
0x73: {  	s1 =	sshrl.u32 s0, $0xE;
	[sflag:s6] =	ssyncadd.s32 $0xFFFFE000;
	s7 =	sadd.s32 s18, s31  }
0x74: {  	[hbm4b:s7+s3] =	stream.linear.scatter [tilespmem:s25], [sflag:$0x1], $0x2000, $0x38;
	[tilespmem:$0x1C000] =	vst v63  }
0x75: {  	s7 =	ssub.s32 s1, s5  }
0x76: {  	s7 =	sshll.u32 s7, $0x10;
	_ =	swait.ge [sflag:s13], $0x2000  }
0x77: {  	s14 =	sand.u32 $0x3E00, s0;
	s7 =	sshra.s32 s7, $0x2;
	[sflag:s13] =	ssyncset.done $0x0  }
0x78: {  	s7 =	sor.u32 s14, s7;
	[sflag:s13] =	ssyncadd.s32 $0xFFFFE000  }
0x79: {  	[tilespmem:s8], [sflag:$0x5] =	stream.indirect.gather [hbm4b:s4+s26], $0x40, s7, s26, $0xb8;
	[tilespmem:$0x1C000] =	vst v63  }
0x7a: {  	_ =	swait.ge [sflag:s12], $0x2000  }
0x7b: {  	s8 =	sadd.s32 $0x680, s2;
	s6 =	rddreg [dreg:$0x7];
	[sflag:s12] =	ssyncset.done $0x0  }
0x7c: {  	[sflag:s12] =	ssyncadd.s32 $0xFFFFE000;
	s7 =	sadd.s32 s18, s6;
	s12 =	sshrl.u32 s8, $0xE  }
0x7d: {  	[hbm4b:s7+s3] =	stream.linear.scatter [tilespmem:s28], [sflag:$0x2], $0x2000, $0x38;
	[tilespmem:$0x1C000] =	vst v63  }
0x7e: {  	s7 =	ssub.s32 s12, s5  }
0x7f: {  	s7 =	sshll.u32 s7, $0x10;
	_ =	swait.ge [sflag:s15], $0x2000  }
0x80: {  	s14 =	sand.u32 $0x3E80, s8;
	s7 =	sshra.s32 s7, $0x2;
	[sflag:s15] =	ssyncset.done $0x0  }
0x81: {  	s7 =	sor.u32 s14, s7;
	[sflag:s15] =	ssyncadd.s32 $0xFFFFE000  }
0x82: {  	[tilespmem:s10], [sflag:$0x6] =	stream.indirect.gather [hbm4b:s4+s26], $0x40, s7, s26, $0xb8;
	[tilespmem:$0x1C000] =	vst v63  }
0x83: {  	_ =	swait.ge [sflag:s9], $0x2000  }
0x84: {  	s22 =	sadd.s32 $0x700, s2;
	s21 =	rddreg [dreg:$0x5];
	[sflag:s9] =	ssyncset.done $0x0  }
0x85: {  	s23 =	sshrl.u32 s22, $0xE;
	[sflag:s9] =	ssyncadd.s32 $0xFFFFE000;
	s7 =	sadd.s32 s18, s21  }
0x86: {  	[hbm4b:s7+s3] =	stream.linear.scatter [tilespmem:s30], [sflag:$0x3], $0x2000, $0x38;
	[tilespmem:$0x1C000] =	vst v63  }
0x87: {  	s7 =	ssub.s32 s23, s5  }
0x88: {  	s7 =	sshll.u32 s7, $0x10;
	_ =	swait.ge [sflag:s16], $0x2000  }
0x89: {  	s14 =	sand.u32 $0x3F00, s22;
	s7 =	sshra.s32 s7, $0x2;
	[sflag:s16] =	ssyncset.done $0x0  }
0x8a: {  	s2 =	sadd.s32 $0x780, s2;
	s7 =	sor.u32 s14, s7;
	[sflag:s16] =	ssyncadd.s32 $0xFFFFE000  }
0x8b: {  	[tilespmem:s19], [sflag:$0x7] =	stream.indirect.gather [hbm4b:s4+s26], $0x40, s7, s26, $0xb8;
	[tilespmem:$0x1C000] =	vst v63  }
0x8c: {  	s30 =	sshrl.u32 s2, $0xE;
	s2 =	sand.u32 $0x3F80, s2;
	_ =	swait.ge [sflag:s11], $0x2000  }
0x8d: {  	s14 =	ssub.s32 s30, s5;
	s24 =	rddreg [dreg:$0x3];
	[sflag:s11] =	ssyncset.done $0x0  }
0x8e: {  	s14 =	sshll.u32 s14, $0x10;
	[sflag:s11] =	ssyncadd.s32 $0xFFFFE000;
	s7 =	sadd.s32 s18, s24  }
0x8f: {  	[hbm4b:s7+s3] =	stream.linear.scatter [tilespmem:s29], [sflag:$0x4], $0x2000, $0x38;
	[tilespmem:$0x1C000] =	vst v63  }
0x90: {  	s19 =	simm.s32 $0x400;
	s31 =	sshra.s32 s14, $0x2;
	_ =	swait.ge [sflag:s17], $0x2000  }
0x91: {  	s7 =	sor.u32 s2, s31;
	s2 =	smov.u32 s18;
	[sflag:s17] =	ssyncset.done $0x0  }
.LBB2_2:
0x92: {  	[sflag:s17] =	ssyncadd.s32 $0xFFFFE000;
	s2 =	sadd.s32 $0x2000, s2  }
0x93: {  	s1 =	simm.s32 $0x1A000;
	s8 =	smov.u32 s19;
	s0 =	smov.u32 s20  }
0x94: {  	[tilespmem:s1], [sflag:$0x8] =	stream.indirect.gather [hbm4b:s4+s26], $0x40, s7, s26, $0xb8;
	[tilespmem:$0x1C000] =	vst v63  }
0x95: {  	s6 =	simm.s32 $0x1;
	s7 =	sadd.s32 s8, s20;
	s8 =	simm.s32 $0x14000  }
0x96: {  	_ =	swait.ge [sflag:s13], $0x2000;
	s18 =	sadd.s32 $0x400, s7;
	s20 =	sadd.s32 $0x480, s7  }
0x97: {  	s23 =	sadd.s32 $0x500, s7;
	s14 =	rddreg [dreg:$0xa];
	[sflag:s13] =	ssyncset.done $0x0  }
0x98: {  	s21 =	sshrl.u32 s18, $0xE;
	s22 =	sshrl.u32 s20, $0xE;
	[sflag:s13] =	ssyncadd.s32 $0xFFFFE000  }
0x99: {  	s14 =	sadd.s32 s2, s14;
	s21 =	ssub.s32 s21, s5;
	s22 =	ssub.s32 s22, s5  }
0x9a: {  	[hbm4b:s14+s3] =	stream.linear.scatter [tilespmem:s8], [sflag:$0x5], $0x2000, $0x38;
	[tilespmem:$0x1C000] =	vst v63  }
0x9b: {  	s9 =	sand.u32 $0x3C00, s18;
	s10 =	sshll.u32 s21, $0x10;
	s11 =	sshll.u32 s22, $0x10  }
0x9c: {  	_ =	swait.ge [sflag:s6], $0x2000;
	s18 =	sshra.s32 s10, $0x2;
	s12 =	sshra.s32 s11, $0x2  }
0x9d: {  	s11 =	sand.u32 $0x3C80, s20;
	s20 =	sadd.s32 $0x600, s7;
	[sflag:s6] =	ssyncset.done $0x0  }
0x9e: {  	s14 =	sor.u32 s9, s18;
	s9 =	sshrl.u32 s23, $0xE;
	s18 =	sor.u32 s11, s12  }
0x9f: {  	s12 =	sshrl.u32 s20, $0xE;
	[sflag:s6] =	ssyncadd.s32 $0xFFFFE000;
	s21 =	ssub.s32 s9, s5  }
0xa0: {  	[tilespmem:s25], [sflag:$0x1] =	stream.indirect.gather [hbm4b:s4+s26], $0x40, s14, s26, $0xb8;
	[tilespmem:$0x1C000] =	vst v63  }
0xa1: {  	s9 =	simm.s32 $0x2;
	s25 =	sadd.s32 $0x580, s7;
	s21 =	sshll.u32 s21, $0x10  }
0xa2: {  	_ =	swait.ge [sflag:s15], $0x2000;
	s10 =	sshrl.u32 s25, $0xE;
	s29 =	sshra.s32 s21, $0x2  }
0xa3: {  	s24 =	rddreg [dreg:$0x8];
	[sflag:s15] =	ssyncset.done $0x0;
	s22 =	ssub.s32 s10, s5  }
0xa4: {  	s10 =	simm.s32 $0x16000;
	[sflag:s15] =	ssyncadd.s32 $0xFFFFE000;
	s24 =	sadd.s32 s2, s24  }
0xa5: {  	[hbm4b:s24+s3] =	stream.linear.scatter [tilespmem:s10], [sflag:$0x6], $0x2000, $0x38;
	[tilespmem:$0x1C000] =	vst v63  }
0xa6: {  	s21 =	ssub.s32 s12, s5;
	s22 =	sshll.u32 s22, $0x10;
	s24 =	sadd.s32 $0x680, s7  }
0xa7: {  	s14 =	sshra.s32 s22, $0x2;
	_ =	swait.ge [sflag:s9], $0x2000;
	s22 =	sshrl.u32 s24, $0xE  }
0xa8: {  	[sflag:s9] =	ssyncset.done $0x0;
	s11 =	ssub.s32 s22, s5;
	s22 =	sadd.s32 $0x700, s7  }
0xa9: {  	s21 =	sshll.u32 s21, $0x10;
	[sflag:s9] =	ssyncadd.s32 $0xFFFFE000;
	s12 =	sshrl.u32 s22, $0xE  }
0xaa: {  	[tilespmem:s28], [sflag:$0x2] =	stream.indirect.gather [hbm4b:s4+s26], $0x40, s18, s26, $0xb8;
	[tilespmem:$0x1C000] =	vst v63  }
0xab: {  	s18 =	sshll.u32 s11, $0x10;
	s31 =	ssub.s32 s12, s5;
	_ =	swait.ge [sflag:s16], $0x2000  }
0xac: {  	s12 =	simm.s32 $0x18000;
	s30 =	rddreg [dreg:$0x6];
	[sflag:s16] =	ssyncset.done $0x0  }
0xad: {  	s11 =	simm.s32 $0x3;
	[sflag:s16] =	ssyncadd.s32 $0xFFFFE000;
	s30 =	sadd.s32 s2, s30  }
0xae: {  	[hbm4b:s30+s3] =	stream.linear.scatter [tilespmem:s12], [sflag:$0x7], $0x2000, $0x38;
	[tilespmem:$0x1C000] =	vst v63  }
0xaf: {  	s28 =	sshra.s32 s21, $0x2;
	_ =	swait.ge [sflag:s11], $0x2000  }
0xb0: {  	s21 =	sadd.s32 $0x780, s7;
	s7 =	sand.u32 $0x3D00, s23;
	[sflag:s11] =	ssyncset.done $0x0  }
0xb1: {  	s29 =	sor.u32 s7, s29;
	s30 =	simm.s32 $0x10000;
	[sflag:s11] =	ssyncadd.s32 $0xFFFFE000  }
0xb2: {  	[tilespmem:s30], [sflag:$0x3] =	stream.indirect.gather [hbm4b:s4+s26], $0x40, s29, s26, $0xb8;
	[tilespmem:$0x1C000] =	vst v63  }
0xb3: {  	_ =	swait.ge [sflag:s17], $0x2000  }
0xb4: {  	s29 =	rddreg [dreg:$0x4];
	[sflag:s17] =	ssyncset.done $0x0  }
0xb5: {  	[sflag:s17] =	ssyncadd.s32 $0xFFFFE000;
	s29 =	sadd.s32 s2, s29  }
0xb6: {  	[hbm4b:s29+s3] =	stream.linear.scatter [tilespmem:s1], [sflag:$0x8], $0x2000, $0x38;
	[tilespmem:$0x1C000] =	vst v63  }
0xb7: {  	s1 =	simm.s32 $0x4  }
0xb8: {  	_ =	swait.ge [sflag:s1], $0x2000  }
0xb9: {  	s25 =	sand.u32 $0x3D80, s25;
	[sflag:s1] =	ssyncset.done $0x0  }
0xba: {  	s14 =	sor.u32 s25, s14;
	s29 =	simm.s32 $0x12000;
	[sflag:s1] =	ssyncadd.s32 $0xFFFFE000  }
0xbb: {  	[tilespmem:s29], [sflag:$0x4] =	stream.indirect.gather [hbm4b:s4+s26], $0x40, s14, s26, $0xb8;
	[tilespmem:$0x1C000] =	vst v63  }
0xbc: {  	_ =	swait.ge [sflag:s6], $0x2000  }
0xbd: {  	s14 =	rddreg [dreg:$0x9];
	[sflag:s6] =	ssyncset.done $0x0  }
0xbe: {  	s25 =	simm.s32 $0xC000;
	[sflag:s6] =	ssyncadd.s32 $0xFFFFE000;
	s14 =	sadd.s32 s2, s14  }
0xbf: {  	[hbm4b:s14+s3] =	stream.linear.scatter [tilespmem:s25], [sflag:$0x1], $0x2000, $0x38;
	[tilespmem:$0x1C000] =	vst v63  }
0xc0: {  	_ =	swait.ge [sflag:s13], $0x2000  }
0xc1: {  	s6 =	sand.u32 $0x3E00, s20;
	[sflag:s13] =	ssyncset.done $0x0  }
0xc2: {  	s14 =	sor.u32 s6, s28;
	[sflag:s13] =	ssyncadd.s32 $0xFFFFE000  }
0xc3: {  	[tilespmem:s8], [sflag:$0x5] =	stream.indirect.gather [hbm4b:s4+s26], $0x40, s14, s26, $0xb8;
	[tilespmem:$0x1C000] =	vst v63  }
0xc4: {  	_ =	swait.ge [sflag:s9], $0x2000  }
0xc5: {  	s8 =	rddreg [dreg:$0x7];
	[sflag:s9] =	ssyncset.done $0x0  }
0xc6: {  	s28 =	simm.s32 $0xE000;
	[sflag:s9] =	ssyncadd.s32 $0xFFFFE000;
	s14 =	sadd.s32 s2, s8  }
0xc7: {  	[hbm4b:s14+s3] =	stream.linear.scatter [tilespmem:s28], [sflag:$0x2], $0x2000, $0x38;
	[tilespmem:$0x1C000] =	vst v63  }
0xc8: {  	_ =	swait.ge [sflag:s15], $0x2000  }
0xc9: {  	s18 =	sshra.s32 s18, $0x2;
	s9 =	sand.u32 $0x3E80, s24;
	[sflag:s15] =	ssyncset.done $0x0  }
0xca: {  	s14 =	sor.u32 s9, s18;
	[sflag:s15] =	ssyncadd.s32 $0xFFFFE000  }
0xcb: {  	[tilespmem:s10], [sflag:$0x6] =	stream.indirect.gather [hbm4b:s4+s26], $0x40, s14, s26, $0xb8;
	[tilespmem:$0x1C000] =	vst v63  }
0xcc: {  	p0 =	sne.s32 s19, $0x5C00;
	_ =	swait.ge [sflag:s11], $0x2000  }
0xcd: {  	s19 =	sadd.s32 $0x400, s19;
	s10 =	rddreg [dreg:$0x5];
	[sflag:s11] =	ssyncset.done $0x0  }
0xce: {  	s23 =	sshll.u32 s31, $0x10;
	[sflag:s11] =	ssyncadd.s32 $0xFFFFE000;
	s14 =	sadd.s32 s2, s10  }
0xcf: {  	[hbm4b:s14+s3] =	stream.linear.scatter [tilespmem:s30], [sflag:$0x3], $0x2000, $0x38;
	[tilespmem:$0x1C000] =	vst v63  }
0xd0: {  	s7 =	sshra.s32 s23, $0x2;
	s23 =	sshrl.u32 s21, $0xE;
	_ =	swait.ge [sflag:s16], $0x2000  }
0xd1: {  	s23 =	ssub.s32 s23, s5;
	s18 =	sand.u32 $0x3F00, s22;
	[sflag:s16] =	ssyncset.done $0x0  }
0xd2: {  	s23 =	sshll.u32 s23, $0x10;
	s7 =	sor.u32 s18, s7;
	[sflag:s16] =	ssyncadd.s32 $0xFFFFE000  }
0xd3: {  	[tilespmem:s12], [sflag:$0x7] =	stream.indirect.gather [hbm4b:s4+s26], $0x40, s7, s26, $0xb8;
	[tilespmem:$0x1C000] =	vst v63  }
0xd4: {  	s31 =	simm.s32 $0x14000;
	s23 =	sshra.s32 s23, $0x2;
	_ =	swait.ge [sflag:s1], $0x2000  }
.Ltmp0:
0xd5: {  	s22 =	rddreg [dreg:$0x3];
	[sflag:s1] =	ssyncset.done $0x0;
	(pc) =	sbr.rel @p0 .LBB2_2-.Ltmp0, $4  }
0xd6: {  	s20 =	smov.u32 s0;
	[sflag:s1] =	ssyncadd.s32 $0xFFFFE000;
	s7 =	sadd.s32 s2, s22  }
0xd7: {  	[hbm4b:s7+s3] =	stream.linear.scatter [tilespmem:s29], [sflag:$0x4], $0x2000, $0x38;
	[tilespmem:$0x1C000] =	vst v63  }
0xd8: {  	s8 =	simm.s32 $0x16000;
	s24 =	sand.u32 $0x3F80, s21;
	_ =	swait.ge [sflag:s17], $0x2000  }
0xd9: {  	s10 =	simm.s32 $0x18000;
	s7 =	sor.u32 s24, s23;
	[sflag:s17] =	ssyncset.done $0x0  }
0xda: {  	[sflag:s17] =	ssyncadd.s32 $0xFFFFE000;
	s1 =	simm.s32 $0x1A000  }
0xdb: {  	[tilespmem:s1], [sflag:$0x8] =	stream.indirect.gather [hbm4b:s4+s26], $0x40, s7, s26, $0xb8;
	[tilespmem:$0x1C000] =	vst v63  }
0xdc: {  	_ =	swait.ge [sflag:s13], $0x2000  }
0xdd: {  	[sflag:s13] =	ssyncset.done $0x0  }
0xde: {  	s0 =	rddreg [dreg:$0x18];
	[sflag:s13] =	ssyncadd.s32 $0xFFFFE000  }
0xdf: {  	[hbm4b:s0+s3] =	stream.linear.scatter [tilespmem:s31], [sflag:$0x5], $0x2000, $0x38;
	[tilespmem:$0x1C000] =	vst v63  }
0xe0: {  	_ =	swait.ge [sflag:s15], $0x2000  }
0xe1: {  	[sflag:s15] =	ssyncset.done $0x0  }
0xe2: {  	s12 =	rddreg [dreg:$0x19];
	[sflag:s15] =	ssyncadd.s32 $0xFFFFE000  }
0xe3: {  	[hbm4b:s12+s3] =	stream.linear.scatter [tilespmem:s8], [sflag:$0x6], $0x2000, $0x38;
	[tilespmem:$0x1C000] =	vst v63  }
0xe4: {  	_ =	swait.ge [sflag:s16], $0x2000  }
0xe5: {  	[sflag:s16] =	ssyncset.done $0x0  }
0xe6: {  	s14 =	rddreg [dreg:$0x1a];
	[sflag:s16] =	ssyncadd.s32 $0xFFFFE000  }
0xe7: {  	[hbm4b:s14+s3] =	stream.linear.scatter [tilespmem:s10], [sflag:$0x7], $0x2000, $0x38;
	[tilespmem:$0x1C000] =	vst v63  }
0xe8: {  	_ =	swait.ge [sflag:s17], $0x2000  }
0xe9: {  	[sflag:s17] =	ssyncset.done $0x0  }
0xea: {  	s19 =	simm.s32 $0x1;
	s18 =	rddreg [dreg:$0x1b];
	[sflag:s17] =	ssyncadd.s32 $0xFFFFE000  }
0xeb: {  	[hbm4b:s18+s3] =	stream.linear.scatter [tilespmem:s1], [sflag:$0x8], $0x2000, $0x38;
	[tilespmem:$0x1C000] =	vst v63  }
0xec: {  	_ =	swait.ge [sflag:s19], $0x2000  }
0xed: {  	[sflag:s19] =	ssyncset.done $0x0  }
0xee: {  	s21 =	simm.s32 $0x2;
	[sflag:s19] =	ssyncadd.s32 $0xFFFFE000  }
0xef: {  	_ =	swait.ge [sflag:s21], $0x2000  }
0xf0: {  	[sflag:s21] =	ssyncset.done $0x0  }
0xf1: {  	s22 =	simm.s32 $0x3;
	[sflag:s21] =	ssyncadd.s32 $0xFFFFE000  }
0xf2: {  	_ =	swait.ge [sflag:s22], $0x2000  }
0xf3: {  	[sflag:s22] =	ssyncset.done $0x0  }
0xf4: {  	s23 =	simm.s32 $0x4;
	[sflag:s22] =	ssyncadd.s32 $0xFFFFE000  }
0xf5: {  	_ =	swait.ge [sflag:s23], $0x2000  }
0xf6: {  	[sflag:s23] =	ssyncset.done $0x0  }
0xf7: {  	[sflag:s23] =	ssyncadd.s32 $0xFFFFE000  }
0xf8: {  	_ =	swait.ge [sflag:s13], $0x2000  }
0xf9: {  	[sflag:s13] =	ssyncset.done $0x0  }
0xfa: {  	[sflag:s13] =	ssyncadd.s32 $0xFFFFE000  }
0xfb: {  	_ =	swait.ge [sflag:s15], $0x2000  }
0xfc: {  	[sflag:s15] =	ssyncset.done $0x0  }
0xfd: {  	[sflag:s15] =	ssyncadd.s32 $0xFFFFE000  }
0xfe: {  	_ =	swait.ge [sflag:s16], $0x2000  }
0xff: {  	[sflag:s16] =	ssyncset.done $0x0  }
0x100: {  	[sflag:s16] =	ssyncadd.s32 $0xFFFFE000  }
0x101: {  	_ =	swait.ge [sflag:s17], $0x2000  }
0x102: {  	s24 =	rddreg [dreg:$0x1d]  }
0x103: {  	s31 =	rddreg [dreg:$0x1c];
	s1 =	sadd.s32 $0x1, s24  }
0x104: {  	p0 =	sne.s32 s1, s31  }
.Ltmp1:
0x105: {  	_ = 	snop;
	(pc) =	sbr.rel @p0 .LBB2_1-.Ltmp1, $3  }
0x106: {  	_ =	sdelay $0x1  }
0x107: {  	[sflag:s17] =	ssyncset.done $0x0  }
0x108: {  	[sflag:s17] =	ssyncadd.s32 $0xFFFFE000  }
0x109: {  	_ =	sfence.sel $0x180000  }
0x10a: {  	[bflag:$0x0] =	sbarrier.arrive $0xFFFF  }
0x10b: {  	_ =	strace $0x90000047  }
0x10c: {  	s0 =	stileid.u32;
	[bflag:$0x2] =	sbarrier.arrive $0xFFFF  }
0x10d: {  	p0 =	sne.s32 s0, $0x0;
	s0 =	rddreg [dreg:$0x2]  }
0x10e: {  	s0 =	sadd.s32 @!p0 $0x100000, s0  }
0x10f: {  	[sflag:s0] =	ssyncadd.tile.s32 @!p0 $0x1;
	_ =	shalt  }
.Lfunc_end2:
_tile_overlayer_lowered:
.L_overlay_start_2:
0x110: {  	(tag) =	ssettag $0x2  }
0x111: {  	s0 =	rddreg [dreg:$0x0];
	s2 =	stileid.u32  }
0x112: {  	s1 =	rddreg [dreg:$0x1];
	p0 =	sne.s32 s2, $0x0  }
0x113: {  	s3 =	rddreg [dreg:$0x2];
	[bflag:$0x3] =	sbarrier.arrive $0xFFFF;
	s2 =	simm.s32 @!p0 $0x1C09  }
0x114: {  	[timem:s3], [sflag:s2] =	dma.local @!p0 [hbm:s0], s1  }
0x115: {  	s0 =	simm.s32 @!p0 $0x9  }
0x116: {  	_ =	swait.ge @!p0 [sflag:s0], s1  }
0x117: {  	s1 =	ssub.s32 @!p0 $0x0, s1;
	[sflag:s0] =	ssyncset.done @!p0 $0x0  }
0x118: {  	[sflag:s0] =	ssyncadd.s32 @!p0 s1  }
0x119: {  	[bflag:$0x3] =	sbarrier.arrive $0xFFFF  }
0x11a: {  	_ =	shalt  }

// kernel: sparse-core-data-format-call.cloned.1.call-start
scs
called_computation_lowered:
.L_overlay_start_0:
0x0: {  	s2 =	sld [smem:$0x3FD9]  }
0x1: {  	s3 =	sld [smem:$0x3FFE];
	_ =	sdelay $0x1  }
0x2: {  	s1 =	srdreg.scid  }
0x3: {  	s0 =	sand.u32 $0x1, s1  }
0x4: {  	s18 =	sshll.u32 s0, $0xA;
	s2 =	sadd.s32 s3, s2  }
0x5: {  	s2 =	sadd.s32 s2, s18  }
0x6: {  	[smem:$0x3FC6] =	sst s2  }
0x7: {  	_ = 	snop  }
0x8: {  	s2 =	sld [smem:$0x3FD0];
	(tm) =	ssettm $0x1  }
0x9: {  	s19 =	sld [smem:$0x3FFB];
	_ =	sdelay $0x3  }
0xa: {  	_ =	strace s19  }
0xb: {  	s3 =	sld [smem:$0x3FFC];
	_ =	sdelay $0x3  }
0xc: {  	_ =	strace s3  }
0xd: {  	s3 =	sld [smem:$0x3FFD];
	_ =	sdelay $0x3  }
0xe: {  	_ =	strace s3  }
0xf: {  	_ =	strace $0x8FFFFFFF  }
0x10: {  	s20 =	sld [smem:$0x3FDB];
	_ =	sdelay $0x1  }
0x11: {  	s4 =	simm.s32 $_scs_section_size  }
0x12: {  	s5 =	simm.s32 $_size__tile_overlayer_lowered;
	s6 =	simm.s32 $_tile_overlayer_lowered  }
0x13: {  	s23 =	simm.s32 $0x1BFF;
	s22 =	sshll.u32 s6, $0x1;
	s3 =	sadd.s32 s4, s20  }
0x14: {  	s7 =	simm.s32 $0x0;
	s21 =	sshll.u32 s5, $0x1;
	s5 =	sadd.s32 s22, s3  }
0x15: {  	[timem:s7], [sflag:s23] =	dma.local [hbm:s5], s21  }
0x16: {  	_ =	swait.ge [sflag:s23], s21  }
0x17: {  	s4 =	ssub.s32 $0x0, s21;
	[sflag:s23] =	ssyncset.done $0x0  }
0x18: {  	[sflag:s23] =	ssyncadd.s32 s4;
	_ =	sdelay $0x1  }
0x19: {  	s24 =	simm.s32 $0x1B8B  }
0x1a: {  	_ =	swait.ge [sflag:s24], $0x1  }
0x1b: {  	[sflag:s24] =	ssyncset.done $0x0  }
0x1c: {  	s26 =	simm.s32 $0x1B8E;
	s25 =	sld [smem:$0x3FFE];
	[sflag:s24] =	ssyncadd.s32 $0xFFFFFFFF  }
0x1d: {  	s27 =	simm.s32 $execute0_lowered;
	[smem:$0x3FD2] =	sst s26  }
0x1e: {  	s5 =	sshll.u32 s27, $0x1;
	_ =	strace $0x80000049;
	[dreg:$0x1] =	wrdreg $0xFFFFFFFF  }
0x1f: {  	s28 =	simm.s32 $_size_execute0_lowered;
	s3 =	sadd.s32 s3, s5;
	[dreg:$0x0] =	wrdreg $0x0  }
0x20: {  	s5 =	sshll.u32 s28, $0x1;
	[dreg:$0x2] =	wrdreg s3  }
0x21: {  	[dreg:$0x3] =	wrdreg s5  }
0x22: {  	[dreg:$0x4] =	wrdreg $0xC0  }
0x23: {  	_ =	task [dreg:s7], $0x5FFFF  }
0x24: {  	[dreg:$0x1] =	wrdreg $0xFFFFFFFF  }
0x25: {  	[dreg:$0x0] =	wrdreg $0x60  }
0x26: {  	[dreg:$0x2] =	wrdreg s25  }
0x27: {  	[dreg:$0x3] =	wrdreg s2  }
0x28: {  	[dreg:$0x4] =	wrdreg $0x9  }
0x29: {  	_ =	task.clear_ibuf [dreg:s7], $0x5FFFF;
	_ =	strace $0x90000049  }
0x2a: {  	s29 =	simm.s32 $0x9;
	_ =	strace $0x8000004B  }
0x2b: {  	_ =	swait.ge [sflag:s29], $0x1  }
0x2c: {  	[sflag:s29] =	ssyncadd.s32 $0xFFFFFFFF  }
0x2d: {  	_ =	strace $0x9000004B  }
0x2e: {  	_ =	sfence  }
0x2f: {  	s30 =	sld [smem:$0x0];
	_ =	sdelay $0x2  }
0x30: {  	s31 =	sshll.u32 s1, $0xD;
	s1 =	sshrl.u32 s1, $0x2  }
0x31: {  	s3 =	sand.u32 $0x4000, s31;
	s1 =	sadd.s32 s1, s30  }
0x32: {  	s0 =	sor.u32 s3, s0;
	s1 =	sshll.u32 s1, $0x11  }
0x33: {  	s0 =	sor.u32 s1, s0  }
0x34: {  	s0 =	sadd.s32 $0x8F2B, s0  }
0x35: {  	[sflag:s0] =	ssyncadd.remote.s32 $0x1  }
0x36: {  	_ =	sfence.sel $0xFFFF  }
0x37: {  	[dreg:$0x0] =	wrdreg $0xFFFFFFFF;
	(pc) =	sbr.abs _section_cstart, $3  }
0x38: {  	[dreg:$0x1] =	wrdreg $0xFFFFFFFF  }
0x39: {  	_ =	task.clear_ibuf [dreg:s7], $0x2FFFF;
	_ =	strace $0x9FFFFFFF  }
0x3a: {  	(tm) =	ssettm $0x7FFFFFFF  }
0x3b: {  	_ =	shalt  }
tec
execute0_lowered:
.L_overlay_start_1:
0x0: {  	(tag) =	ssettag $0x1  }
0x1: {  	s0 =	srdreg.scid  }
0x2: {  	s1 =	sshll.u32 s0, $0x4  }
0x3: {  	s0 =	stileid.u32;
	s1 =	sand.u32 $0x10, s1  }
0x4: {  	s7 =	rddreg [dreg:$0x0];
	s1 =	sor.u32 s0, s1  }
0x5: {  	s4 =	simm.s32 $0x1;
	s8 =	simm.s32 $0x2;
	s2 =	sshll.u32 s1, $0x7  }
0x6: {  	s13 =	simm.s32 $0x0;
	s9 =	simm.s32 $0x20000;
	s1 =	ssub.s32 $0x4000, s2  }
0x7: {  	s14 =	simm.s32 $0x0;
	s11 =	simm.s32 $0x0;
	s3 =	sand.u32 $0xF80, s1  }
0x8: {  	s12 =	simm.s32 $0x0;
	s5 =	sshrl.u32 s1, $0xC;
	p0 =	sne.s32 s3, $0x0  }
.Ltmp0:
0x9: {  	s1 =	rddreg [dreg:$0x2];
	s4 =	simm.s32 @!p0 $0x0;
	(pc) =	sbr.rel .LBB1_1-.Ltmp0, $4  }
0xa: {  	s6 =	sadd.s32 $0xA00, s7;
	s3 =	rddreg [dreg:$0x1];
	s5 =	sadd.s32 s4, s5  }
0xb: {  	_ =	strace $0x8000004A;
	s4 =	simm.s32 $0x1;
	s5 =	smul.u32 $0x19, s5  }
0xc: {  	s7 =	sadd.s32 $0x40A00, s7;
	s10 =	smov.u32 s2;
	[sflag:s4] =	ssyncpa.u1 $0x0  }
0xd: {  	p0 =	por $0x0, $0x0;
	[sflag:s8] =	ssyncpa.u1 $0x0;
	s8 =	sadd.s32 $0x1, s5  }
.LBB1_7:
0xe: {  	s15 =	sadd.s32 $0x1000, s10  }
0xf: {  	s13 =	sadd.s32 $0x2, s11;
	s17 =	smov.u32 s11;
	p2 =	sgt.s32 s15, $0x3FFF  }
0x10: {  	s17 =	smov.u32 @p2 s13  }
0x11: {  	s15 =	smov.u32 @p2 s2;
	p2 =	sgt.s32 s17, $0x31  }
0x12: {  	s17 =	simm.s32 @p2 $0x0;
	p2 =	sne.s32 s12, s8  }
.Ltmp1:
0x13: {  	p1 =	slt.u32 s12, $0x2;
	(pc) =	sbr.rel @!p2 .LBB1_8-.Ltmp1, $4  }
0x14: {  	s16 =	simm.s32 @!p1 $0x2  }
0x15: {  	s14 =	smov.u32 s11;
	p0 =	por !p0, !p0;
	_ =	swait.ge @!p1 [sflag:s16], $0x4000  }
0x16: {  	s13 =	smov.u32 s10;
	[sflag:s16] =	ssyncset.done @!p1 $0x0;
	s10 =	smov.u32 s15  }
0x17: {  	s12 =	sadd.s32 $0x1, s12;
	[sflag:s16] =	ssyncadd.s32 @!p1 $0xFFFFC000;
	s11 =	smov.u32 s17  }
.LBB1_1:
0x18: {  	p1 =	sge.u32 s12, s5  }
0x19: {  	s15 =	sxor.u32 @!p1 $0xFFFFFFFF, s12;
	s16 =	sshll.u32 @!p1 s11, $0x12  }
0x1a: {  	s17 =	sshll.u32 @!p1 s10, $0x4;
	s19 =	simm.s32 @!p1 $0x40;
	s20 =	simm.s32 @!p1 $0x80  }
0x1b: {  	s15 =	sshll.u32 @!p1 s15, $0xE;
	s17 =	sand.u32 @!p1 $0x3FFF0, s17;
	s18 =	sadd.s32 @!p1 s6, s16  }
0x1c: {  	s16 =	sadd.s32 @!p1 s16, s7;
	s15 =	sand.u32 @!p1 $0x4000, s15;
	s18 =	sadd.s32 @!p1 s17, s18  }
0x1d: {  	[tilespmem:s15], [sflag:$0x1] =	stream.strided.gather @!p1 [hbm4b:s18+s19], $0x2000, s20, s19, $0x38;
	[tilespmem:$0x10100] =	vst v63  }
0x1e: {  	s31 =	sadd.s32 $0xFFFFFFFF, s12;
	s16 =	sadd.s32 @!p1 s17, s16;
	s15 =	sor.u32 @!p1 $0x2000, s15  }
0x1f: {  	[tilespmem:s15], [sflag:$0x1] =	stream.strided.gather @!p1 [hbm4b:s16+s19], $0x2000, s20, s19, $0x38;
	[tilespmem:$0x10100] =	vst v63  }
0x20: {  	p1 =	sge.u32 s31, s5  }
.Ltmp2:
0x21: {  	_ = 	snop;
	(pc) =	sbr.rel @p1 .LBB1_7-.Ltmp2, $1  }
0x22: {  	_ =	sdelay $0x3  }
0x23: {  	s15 =	simm.s32 $0x1;
	s17 =	sand.u32 $0x1, s12  }
0x24: {  	_ =	swait.ge [sflag:s4], $0x4000;
	s15 =	simm.s32 @!p0 $0x0;
	s17 =	smul.u32 $0x10200, s17  }
0x25: {  	p2 =	por $0x1, $0x1;
	[sflag:s4] =	ssyncset.done $0x0;
	s16 =	smul.u32 $0x10200, s15  }
0x26: {  	s18 =	sshll.u32 s15, $0x10;
	[sflag:s4] =	ssyncadd.s32 $0xFFFFC000;
	s30 =	sshrl.u32 s17, $0x2  }
0x27: {  	s31 =	sshrl.u32 s18, $0x2;
	s18 =	simm.s32 $0x0;
	s16 =	sshrl.u32 s16, $0x2  }
0x28: {  	s15 =	sor.u32 $0x8000, s30;
	s17 =	sadd.s32 $0x20, s31;
	s16 =	sor.u32 $0x8000, s16  }
.LBB1_3:
0x29: {  	s19 =	sshll.u32 s18, $0xD  }
0x2a: {  	s19 =	sand.u32 $0x3FFFE000, s19  }
0x2b: {  	s21 =	sadd.s32 s19, s17  }
0x2c: {  	s31 =	smul.u32 $0x8100, s18;
	v3 =	vld [tilespmem:s21+$0x10]  }
0x2d: {  	v1 =	vld [tilespmem:s21+$0xFFFFFFF0]  }
0x2e: {  	s18 =	sshra.s32 s31, $0x2;
	v0 =	vld [tilespmem:s21+$0x0]  }
0x2f: {  	s18 =	sadd.s32 s18, s16;
	v2 =	vld [tilespmem:s21+$0xFFFFFFE0]  }
0x30: {  	s19 =	sadd.s32 $0x0, s18  }
0x31: {  	p1 =	por p2, p2;
	s20 =	simm.s32 $0x4;
	s21 =	sadd.s32 $0x40, s21;
	[tilespmem:s19+$0x1830 ss:$0x81] =	vst.msk $0xffff, v3  }
.LBB1_4:
0x32: {  	v3 =	vld [tilespmem:s21+$0x10];
	p2 =	sne.s32 s20, $0x1FC;
	[tilespmem:s19+$0x810 ss:$0x81] =	vst.msk $0xffff, v1;
	s22 =	smov.u32 s20;
	s20 =	sadd.s32 $0x4, s20  }
.Ltmp3:
0x33: {  	v1 =	vld [tilespmem:s21+$0xFFFFFFF0];
	[tilespmem:s19+$0x1020 ss:$0x81] =	vst.msk $0xffff, v0;
	(pc) =	sbr.rel @p2 .LBB1_4-.Ltmp3, $4  }
0x34: {  	v0 =	vld [tilespmem:s21+$0x0];
	[tilespmem:s19+$0x0 ss:$0x81] =	vst.msk $0xffff, v2  }
0x35: {  	s19 =	sshra.s32 s22, $0x2;
	v2 =	vld [tilespmem:s21+$0xFFFFFFE0]  }
0x36: {  	s19 =	sadd.s32 s19, s18  }
0x37: {  	s21 =	sadd.s32 $0x40, s21;
	[tilespmem:s19+$0x1830 ss:$0x81] =	vst.msk $0xffff, v3  }
.Ltmp4:
0x38: {  	(pc) =	sbr.rel @p1 .LBB1_3-.Ltmp4, $4  }
0x39: {  	_ = 	snop  }
0x3a: {  	[tilespmem:s19+$0x810 ss:$0x81] =	vst.msk $0xffff, v1  }
0x3b: {  	[tilespmem:s19+$0x1020 ss:$0x81] =	vst.msk $0xffff, v0  }
0x3c: {  	s18 =	simm.s32 $0x1;
	p2 =	por $0x0, $0x0;
	[tilespmem:s19+$0x0 ss:$0x81] =	vst.msk $0xffff, v2  }
0x3d: {  	s16 =	sshll.u32 s13, $0x3;
	s17 =	sand.u32 $0x78, s13;
	s14 =	sshll.u32 s14, $0x11  }
.Ltmp5:
0x3e: {  	s30 =	sand.u32 $0x1F800, s13;
	s16 =	sand.u32 $0x3C00, s16;
	(pc) =	sbr.rel .LBB1_7-.Ltmp5, $4  }
0x3f: {  	s31 =	sand.u32 $0x7, s13;
	s14 =	sadd.s32 s3, s14;
	s16 =	sor.u32 s17, s16  }
0x40: {  	s13 =	sshll.u32 s31, $0x12;
	s14 =	sadd.s32 s30, s14;
	s16 =	sshrl.u32 s16, $0x3  }
0x41: {  	s13 =	sor.u32 $0x400, s13;
	s14 =	sadd.s32 s16, s14  }
0x42: {  	[hbm4b:s14+s13] =	stream.strided.scatter [tilespmem:s15], [sflag:$0x2], $0x4000, s9, s13, $0x20;
	[tilespmem:$0x10100] =	vst v63  }
.LBB1_8:
0x43: {  	_ =	sfence.sel $0x180000  }
0x44: {  	s2 =	simm.s32 $0x1;
	[bflag:$0x0] =	sbarrier.arrive $0xFFFF  }
0x45: {  	s31 =	simm.s32 $0x2;
	[sflag:s2] =	ssyncpa.u1 $0x1  }
0x46: {  	[sflag:s31] =	ssyncpa.u1 $0x1  }
0x47: {  	p0 =	sne.s32 s0, $0x0;
	_ =	strace $0x9000004A  }
0x48: {  	s0 =	sadd.s32 @!p0 $0x100000, s1;
	[bflag:$0x2] =	sbarrier.arrive $0xFFFF  }
0x49: {  	[sflag:s0] =	ssyncadd.tile.s32 @!p0 $0x1;
	_ =	shalt  }
.Lfunc_end1:
_tile_overlayer_lowered:
.L_overlay_start_2:
0x4a: {  	(tag) =	ssettag $0x2  }
0x4b: {  	s0 =	rddreg [dreg:$0x0];
	s2 =	stileid.u32  }
0x4c: {  	s1 =	rddreg [dreg:$0x1];
	p0 =	sne.s32 s2, $0x0  }
0x4d: {  	s3 =	rddreg [dreg:$0x2];
	[bflag:$0x3] =	sbarrier.arrive $0xFFFF;
	s2 =	simm.s32 @!p0 $0x1C01  }
0x4e: {  	[timem:s3], [sflag:s2] =	dma.local @!p0 [hbm:s0], s1  }
0x4f: {  	s0 =	simm.s32 @!p0 $0x1  }
0x50: {  	_ =	swait.ge @!p0 [sflag:s0], s1  }
0x51: {  	s1 =	ssub.s32 @!p0 $0x0, s1;
	[sflag:s0] =	ssyncset.done @!p0 $0x0  }
0x52: {  	[sflag:s0] =	ssyncadd.s32 @!p0 s1  }
0x53: {  	[bflag:$0x3] =	sbarrier.arrive $0xFFFF  }
0x54: {  	_ =	shalt  }

</sc_bundles>
